<compile_context>
chip_gen: v7x
topology: tpu7x:2x2x1
jax: 0.10.2.dev20260603
libtpu: 0.0.44.dev20260713+nightly
codegen_flags: <defaults>
</compile_context>

<pallas_src>
import functools

import jax
import jax.numpy as jnp
from jax import lax
from jax.experimental import pallas as pl
from jax.experimental.pallas import tpu as pltpu
from jax.experimental.pallas import tpu_sc as plsc

_VOCAB = 1000000
_EMBED_DIM = 64
_BATCH = 16384
_NBUF = 3
_LANES = 16
_CW = 2
_CHUNK_LANES = _CW * 128
_NBLOCKS = (_VOCAB + 127) // 128
_MAXCH = 3968


def _gather_sorted(sv, perm3, starts, tab_t):
    info = plsc.get_sparse_core_info()
    num_workers = info.num_cores * info.num_subcores
    b_per_w = _BATCH // num_workers
    n_scat = b_per_w // 128

    mesh = plsc.VectorSubcoreMesh(core_axis_name="c", subcore_axis_name="s")

    @functools.partial(
        pl.kernel,
        mesh=mesh,
        out_type=jax.ShapeDtypeStruct((_BATCH, 128), jnp.float32),
        scratch_types=[
            pltpu.SMEM((b_per_w,), jnp.int32),
            pltpu.VMEM((b_per_w,), jnp.int32),
            pltpu.VMEM((_MAXCH,), jnp.int32),
            pltpu.VMEM((n_scat, 128), jnp.int32),
            pltpu.VMEM((b_per_w, 128), jnp.float32),
        ]
        + [pltpu.VMEM((_EMBED_DIM, _CHUNK_LANES), jnp.float32) for _ in range(_NBUF)]
        + [pltpu.SemaphoreType.DMA for _ in range(_NBUF)]
        + [pltpu.SemaphoreType.DMA, pltpu.SemaphoreType.DMA],
        compiler_params=pltpu.CompilerParams(needs_layout_passes=False),
    )
    def gather_kernel(tab_hbm, sv_hbm, perm_hbm, starts_hbm, out_hbm, idx_s,
                      sv_v, starts_v, perm_v, rows_v, blk0, blk1, blk2,
                      sem0, sem1, sem2, sem_i, sem_o):
        blks = (blk0, blk1, blk2)
        sems = (sem0, sem1, sem2)
        wid = lax.axis_index("s") * info.num_cores + lax.axis_index("c")
        base = wid * b_per_w
        pltpu.async_copy(sv_hbm.at[pl.ds(base, b_per_w)], sv_v, sem_i).wait()
        pltpu.async_copy(perm_hbm.at[wid], perm_v, sem_i).wait()
        pltpu.async_copy(starts_hbm.at[wid], starts_v, sem_i).wait()

        def spill_chunk(g, carry):
            chunk = sv_v[pl.ds(g * _LANES, _LANES)]
            for k in range(_LANES):
                idx_s[g * _LANES + k] = chunk[k]
            return carry

        lax.fori_loop(0, b_per_w // _LANES, spill_chunk, 0)

        lo_b = idx_s[0] >> 7
        hi_b = idx_s[b_per_w - 1] >> 7
        nchunks = (hi_b - lo_b) // _CW + 1
        ngroups = (nchunks + _NBUF - 1) // _NBUF

        def chunk_lane(c):
            cb = jnp.minimum(lo_b + c * _CW, _NBLOCKS - _CW)
            return pl.multiple_of(cb * 128, 128)

        def fire(c, slot):
            pltpu.make_async_copy(
                tab_hbm.at[:, pl.ds(chunk_lane(c), _CHUNK_LANES)],
                blks[slot], sems[slot],
            ).start()

        for r in range(_NBUF):
            fire(r, r)

        lane = lax.iota(jnp.int32, _LANES)

        def group(g, carry):
            bwin = starts_v[pl.ds(g * _NBUF, _LANES)]
            for r in range(_NBUF):
                c = g * _NBUF + r
                pltpu.make_async_copy(
                    tab_hbm.at[:, pl.ds(0, _CHUNK_LANES)], blks[r], sems[r]
                ).wait()
                base_lane = chunk_lane(c)

                def step(i, inner):
                    v = idx_s[i]
                    off = jnp.full((_LANES,), v - base_lane, jnp.int32)
                    for k in range(_EMBED_DIM // _LANES):
                        xs = plsc.load_gather(
                            blks[r], [lane + (k * _LANES), off]
                        )
                        rows_v[i, pl.ds(k * _LANES, _LANES)] = xs
                    return inner

                lax.fori_loop(bwin[r], bwin[r + 1], step, 0)
                fire(c + _NBUF, r)
            return carry

        lax.fori_loop(0, ngroups, group, 0)
        for r in range(_NBUF):
            pltpu.make_async_copy(
                tab_hbm.at[:, pl.ds(0, _CHUNK_LANES)], blks[r], sems[r]
            ).wait()

        handles = []
        for j in range(n_scat):
            handles.append(
                pltpu.async_copy(
                    rows_v.at[pl.ds(j * 128, 128)],
                    out_hbm.at[perm_v.at[j]],
                    sem_o,
                )
            )
        for h in handles:
            h.wait()

    return gather_kernel(tab_t, sv, perm3, starts)[:, :_EMBED_DIM]


def kernel(id, center_embed):
    idx = id.astype(jnp.int32)
    pos = jnp.arange(_BATCH, dtype=jnp.int32)
    sv, perm = lax.sort_key_val(idx, pos)
    info = plsc.get_sparse_core_info()
    num_workers = info.num_cores * info.num_subcores
    b_per_w = _BATCH // num_workers
    perm3 = perm.reshape(num_workers, b_per_w // 128, 128)
    sv2 = sv.reshape(num_workers, b_per_w)
    lo_b = sv2[:, 0] >> 7
    bounds = (
        lo_b[:, None]
        + jnp.arange(_MAXCH, dtype=jnp.int32)[None, :] * _CW
    ) * 128
    starts = jax.vmap(
        lambda a, v: jnp.searchsorted(a, v, side="left", method="compare_all")
    )(sv2, bounds).astype(jnp.int32)
    return _gather_sorted(sv, perm3, starts, center_embed.T)

# --- scband reference (transcript-rebuilt; emitter-appended) ---
"""Pipeline reference for scband-word2-vec-89902255440435 (READ-ONLY COPY).

The authoritative reference and input builder live on the scoring server;
editing this copy changes nothing except your own understanding.
"""

import jax, jax.numpy as jnp
import numpy as np

VOCAB = 1000000
EMBED_DIM = 64
BATCH = 16384

def setup_inputs(seed: int = 0) -> dict:
    key = jax.random.key(seed)
    k_id, k_w = jax.random.split(key)
    id = jax.random.randint(k_id, (BATCH,), 0, VOCAB, dtype=jnp.int64 if jax.config.jax_enable_x64 else jnp.int32)
    center_embed = jax.random.normal(k_w, (VOCAB, EMBED_DIM), dtype=jnp.float32)
    return {"id": id, "center_embed": center_embed}

def reference(id, center_embed):
    # Word2Vec.forward: return self.center_embed(id)
    return jnp.take(center_embed, id, axis=0)

if __name__ == "__main__":
    import jax
    _d = setup_inputs()
    print(jax.jit(kernel)(*tuple(_d.values())))

</pallas_src>

<mosaic_0001>
#map = affine_map<(d0, d1) -> (0, 0)>
#map1 = affine_map<(d0, d1) -> (0)>
#map2 = affine_map<(d0, d1) -> (0, 0, 0)>
module attributes {stable_mosaic.version = 14 : i64} {
  func.func @gather_kernel(%arg0: i32, %arg1: i32, %arg2: memref<64x1000000xf32, #tpu.memory_space<hbm>>, %arg3: memref<16384xi32, #tpu.memory_space<hbm>>, %arg4: memref<32x4x128xi32, #tpu.memory_space<hbm>>, %arg5: memref<32x3968xi32, #tpu.memory_space<hbm>>, %arg6: memref<16384x128xf32, #tpu.memory_space<hbm>>, %arg7: memref<512xi32, #tpu.memory_space<smem>>, %arg8: memref<512xi32, #tpu.memory_space<vmem>>, %arg9: memref<3968xi32, #tpu.memory_space<vmem>>, %arg10: memref<4x128xi32, #tpu.memory_space<vmem>>, %arg11: memref<512x128xf32, #tpu.memory_space<vmem>>, %arg12: memref<64x256xf32, #tpu.memory_space<vmem>>, %arg13: memref<64x256xf32, #tpu.memory_space<vmem>>, %arg14: memref<64x256xf32, #tpu.memory_space<vmem>>, %arg15: memref<!tpu.dma_semaphore, #tpu.memory_space<semaphore_mem>>, %arg16: memref<!tpu.dma_semaphore, #tpu.memory_space<semaphore_mem>>, %arg17: memref<!tpu.dma_semaphore, #tpu.memory_space<semaphore_mem>>, %arg18: memref<!tpu.dma_semaphore, #tpu.memory_space<semaphore_mem>>, %arg19: memref<!tpu.dma_semaphore, #tpu.memory_space<semaphore_mem>>) attributes {dimension_semantics = [#tpu.dimension_semantics<core_parallel>, #tpu.dimension_semantics<subcore_parallel>], iteration_bounds = array<i64: 2, 16>, scalar_prefetch = 0 : i64, scratch_operands = 13 : i64, tpu.core_type = #tpu.core_type<sc_vector_subcore>, window_params = [{transform_indices = #map}, {transform_indices = #map1}, {transform_indices = #map2}, {transform_indices = #map}, {transform_indices = #map}]} {
    %mul3A = arith.constant 2 : i32
    %mul3A_0 = arith.muli %arg1, %mul3A : i32
    %add3A = arith.addi %mul3A_0, %arg0 : i32
    %mul3A_1 = arith.constant 512 : i32
    %mul3A_2 = arith.muli %add3A, %mul3A_1 : i32
    %dma_start3A = tpu.memref_slice %arg3[%mul3A_2] : memref<16384xi32, #tpu.memory_space<hbm>> -> memref<512xi32, #tpu.memory_space<hbm>>
    %dma_start3A_3 = tpu.memref_slice %arg3[%mul3A_2] : memref<16384xi32, #tpu.memory_space<hbm>> -> memref<512xi32, #tpu.memory_space<hbm>>
    tpu.enqueue_dma source(%dma_start3A_3 : memref<512xi32, #tpu.memory_space<hbm>>) target(%arg8 : memref<512xi32, #tpu.memory_space<vmem>>) target_semaphore(%arg18 : memref<!tpu.dma_semaphore, #tpu.memory_space<semaphore_mem>>)
    %dma_wait3A = tpu.memref_slice %arg3[%mul3A_2] : memref<16384xi32, #tpu.memory_space<hbm>> -> memref<512xi32, #tpu.memory_space<hbm>>
    %dma_wait3A_4 = tpu.memref_slice %arg3[%mul3A_2] : memref<16384xi32, #tpu.memory_space<hbm>> -> memref<512xi32, #tpu.memory_space<hbm>>
    tpu.wait_dma2 semaphore(%arg18 : memref<!tpu.dma_semaphore, #tpu.memory_space<semaphore_mem>>) src(%dma_wait3A_4 : memref<512xi32, #tpu.memory_space<hbm>>) dst(%arg8 : memref<512xi32, #tpu.memory_space<vmem>>)
    %dma_start3A_5 = arith.constant 0 : i32
    %dma_start3A_6 = arith.constant 0 : i32
    %dma_start3A_7 = tpu.memref_slice %arg4[%add3A, %dma_start3A_5, %dma_start3A_6] : memref<32x4x128xi32, #tpu.memory_space<hbm>> -> memref<1x4x128xi32, #tpu.memory_space<hbm>>
    %dma_start3A_8 = tpu.memref_squeeze %dma_start3A_7 : memref<1x4x128xi32, #tpu.memory_space<hbm>> -> memref<4x128xi32, #tpu.memory_space<hbm>>
    %dma_start3A_9 = arith.constant 0 : i32
    %dma_start3A_10 = arith.constant 0 : i32
    %dma_start3A_11 = tpu.memref_slice %arg4[%add3A, %dma_start3A_9, %dma_start3A_10] : memref<32x4x128xi32, #tpu.memory_space<hbm>> -> memref<1x4x128xi32, #tpu.memory_space<hbm>>
    %dma_start3A_12 = tpu.memref_squeeze %dma_start3A_11 : memref<1x4x128xi32, #tpu.memory_space<hbm>> -> memref<4x128xi32, #tpu.memory_space<hbm>>
    tpu.enqueue_dma source(%dma_start3A_12 : memref<4x128xi32, #tpu.memory_space<hbm>>) target(%arg10 : memref<4x128xi32, #tpu.memory_space<vmem>>) target_semaphore(%arg18 : memref<!tpu.dma_semaphore, #tpu.memory_space<semaphore_mem>>)
    %dma_wait3A_13 = arith.constant 0 : i32
    %dma_wait3A_14 = arith.constant 0 : i32
    %dma_wait3A_15 = tpu.memref_slice %arg4[%add3A, %dma_wait3A_13, %dma_wait3A_14] : memref<32x4x128xi32, #tpu.memory_space<hbm>> -> memref<1x4x128xi32, #tpu.memory_space<hbm>>
    %dma_wait3A_16 = tpu.memref_squeeze %dma_wait3A_15 : memref<1x4x128xi32, #tpu.memory_space<hbm>> -> memref<4x128xi32, #tpu.memory_space<hbm>>
    %dma_wait3A_17 = arith.constant 0 : i32
    %dma_wait3A_18 = arith.constant 0 : i32
    %dma_wait3A_19 = tpu.memref_slice %arg4[%add3A, %dma_wait3A_17, %dma_wait3A_18] : memref<32x4x128xi32, #tpu.memory_space<hbm>> -> memref<1x4x128xi32, #tpu.memory_space<hbm>>
    %dma_wait3A_20 = tpu.memref_squeeze %dma_wait3A_19 : memref<1x4x128xi32, #tpu.memory_space<hbm>> -> memref<4x128xi32, #tpu.memory_space<hbm>>
    tpu.wait_dma2 semaphore(%arg18 : memref<!tpu.dma_semaphore, #tpu.memory_space<semaphore_mem>>) src(%dma_wait3A_20 : memref<4x128xi32, #tpu.memory_space<hbm>>) dst(%arg10 : memref<4x128xi32, #tpu.memory_space<vmem>>)
    %dma_start3A_21 = arith.constant 0 : i32
    %dma_start3A_22 = tpu.memref_slice %arg5[%add3A, %dma_start3A_21] : memref<32x3968xi32, #tpu.memory_space<hbm>> -> memref<1x3968xi32, #tpu.memory_space<hbm>>
    %dma_start3A_23 = tpu.memref_squeeze %dma_start3A_22 : memref<1x3968xi32, #tpu.memory_space<hbm>> -> memref<3968xi32, #tpu.memory_space<hbm>>
    %dma_start3A_24 = arith.constant 0 : i32
    %dma_start3A_25 = tpu.memref_slice %arg5[%add3A, %dma_start3A_24] : memref<32x3968xi32, #tpu.memory_space<hbm>> -> memref<1x3968xi32, #tpu.memory_space<hbm>>
    %dma_start3A_26 = tpu.memref_squeeze %dma_start3A_25 : memref<1x3968xi32, #tpu.memory_space<hbm>> -> memref<3968xi32, #tpu.memory_space<hbm>>
    tpu.enqueue_dma source(%dma_start3A_26 : memref<3968xi32, #tpu.memory_space<hbm>>) target(%arg9 : memref<3968xi32, #tpu.memory_space<vmem>>) target_semaphore(%arg18 : memref<!tpu.dma_semaphore, #tpu.memory_space<semaphore_mem>>)
    %dma_wait3A_27 = arith.constant 0 : i32
    %dma_wait3A_28 = tpu.memref_slice %arg5[%add3A, %dma_wait3A_27] : memref<32x3968xi32, #tpu.memory_space<hbm>> -> memref<1x3968xi32, #tpu.memory_space<hbm>>
    %dma_wait3A_29 = tpu.memref_squeeze %dma_wait3A_28 : memref<1x3968xi32, #tpu.memory_space<hbm>> -> memref<3968xi32, #tpu.memory_space<hbm>>
    %dma_wait3A_30 = arith.constant 0 : i32
    %dma_wait3A_31 = tpu.memref_slice %arg5[%add3A, %dma_wait3A_30] : memref<32x3968xi32, #tpu.memory_space<hbm>> -> memref<1x3968xi32, #tpu.memory_space<hbm>>
    %dma_wait3A_32 = tpu.memref_squeeze %dma_wait3A_31 : memref<1x3968xi32, #tpu.memory_space<hbm>> -> memref<3968xi32, #tpu.memory_space<hbm>>
    tpu.wait_dma2 semaphore(%arg18 : memref<!tpu.dma_semaphore, #tpu.memory_space<semaphore_mem>>) src(%dma_wait3A_32 : memref<3968xi32, #tpu.memory_space<hbm>>) dst(%arg9 : memref<3968xi32, #tpu.memory_space<vmem>>)
    %scan3A = arith.constant 0 : i32
    %scan3A_33 = arith.constant 0 : i32
    %scan3A_34 = arith.constant 32 : i32
    %scan3A_35 = arith.addi %scan3A_33, %scan3A_34 : i32
    %scan3A_36 = arith.constant 1 : i32
    scf.for %scan3A_231 = %scan3A_33 to %scan3A_35 step %scan3A_36  : i32 {
      %mul3A_232 = arith.constant 16 : i32
      %mul3A_233 = arith.muli %scan3A_231, %mul3A_232 : i32
      %get3A_234 = arith.index_cast %mul3A_233 : i32 to index
      %get3A_235 = tpu.vector_load %arg8[%get3A_234] {strides = array<i32>} : memref<512xi32, #tpu.memory_space<vmem>>, vector<16xi32>,
      %slice3A = vector.extract_strided_slice %get3A_235 {offsets = [0], sizes = [1], strides = [1]} : vector<16xi32> to vector<1xi32>
      %squeeze3A = vector.extract %slice3A[0] : i32 from vector<1xi32>
      %mul3A_236 = arith.constant 16 : i32
      %mul3A_237 = arith.muli %scan3A_231, %mul3A_236 : i32
      %add3A_238 = arith.constant 0 : i32
      %add3A_239 = arith.addi %mul3A_237, %add3A_238 : i32
      %swap3A = arith.index_cast %add3A_239 : i32 to index
      %swap3A_240 = memref.load %arg7[%swap3A] : memref<512xi32, #tpu.memory_space<smem>>
      memref.store %squeeze3A, %arg7[%swap3A] : memref<512xi32, #tpu.memory_space<smem>>
      %slice3A_241 = vector.extract_strided_slice %get3A_235 {offsets = [1], sizes = [1], strides = [1]} : vector<16xi32> to vector<1xi32>
      %squeeze3A_242 = vector.extract %slice3A_241[0] : i32 from vector<1xi32>
      %mul3A_243 = arith.constant 16 : i32
      %mul3A_244 = arith.muli %scan3A_231, %mul3A_243 : i32
      %add3A_245 = arith.constant 1 : i32
      %add3A_246 = arith.addi %mul3A_244, %add3A_245 : i32
      %swap3A_247 = arith.index_cast %add3A_246 : i32 to index
      %swap3A_248 = memref.load %arg7[%swap3A_247] : memref<512xi32, #tpu.memory_space<smem>>
      memref.store %squeeze3A_242, %arg7[%swap3A_247] : memref<512xi32, #tpu.memory_space<smem>>
      %slice3A_249 = vector.extract_strided_slice %get3A_235 {offsets = [2], sizes = [1], strides = [1]} : vector<16xi32> to vector<1xi32>
      %squeeze3A_250 = vector.extract %slice3A_249[0] : i32 from vector<1xi32>
      %mul3A_251 = arith.constant 16 : i32
      %mul3A_252 = arith.muli %scan3A_231, %mul3A_251 : i32
      %add3A_253 = arith.constant 2 : i32
      %add3A_254 = arith.addi %mul3A_252, %add3A_253 : i32
      %swap3A_255 = arith.index_cast %add3A_254 : i32 to index
      %swap3A_256 = memref.load %arg7[%swap3A_255] : memref<512xi32, #tpu.memory_space<smem>>
      memref.store %squeeze3A_250, %arg7[%swap3A_255] : memref<512xi32, #tpu.memory_space<smem>>
      %slice3A_257 = vector.extract_strided_slice %get3A_235 {offsets = [3], sizes = [1], strides = [1]} : vector<16xi32> to vector<1xi32>
      %squeeze3A_258 = vector.extract %slice3A_257[0] : i32 from vector<1xi32>
      %mul3A_259 = arith.constant 16 : i32
      %mul3A_260 = arith.muli %scan3A_231, %mul3A_259 : i32
      %add3A_261 = arith.constant 3 : i32
      %add3A_262 = arith.addi %mul3A_260, %add3A_261 : i32
      %swap3A_263 = arith.index_cast %add3A_262 : i32 to index
      %swap3A_264 = memref.load %arg7[%swap3A_263] : memref<512xi32, #tpu.memory_space<smem>>
      memref.store %squeeze3A_258, %arg7[%swap3A_263] : memref<512xi32, #tpu.memory_space<smem>>
      %slice3A_265 = vector.extract_strided_slice %get3A_235 {offsets = [4], sizes = [1], strides = [1]} : vector<16xi32> to vector<1xi32>
      %squeeze3A_266 = vector.extract %slice3A_265[0] : i32 from vector<1xi32>
      %mul3A_267 = arith.constant 16 : i32
      %mul3A_268 = arith.muli %scan3A_231, %mul3A_267 : i32
      %add3A_269 = arith.constant 4 : i32
      %add3A_270 = arith.addi %mul3A_268, %add3A_269 : i32
      %swap3A_271 = arith.index_cast %add3A_270 : i32 to index
      %swap3A_272 = memref.load %arg7[%swap3A_271] : memref<512xi32, #tpu.memory_space<smem>>
      memref.store %squeeze3A_266, %arg7[%swap3A_271] : memref<512xi32, #tpu.memory_space<smem>>
      %slice3A_273 = vector.extract_strided_slice %get3A_235 {offsets = [5], sizes = [1], strides = [1]} : vector<16xi32> to vector<1xi32>
      %squeeze3A_274 = vector.extract %slice3A_273[0] : i32 from vector<1xi32>
      %mul3A_275 = arith.constant 16 : i32
      %mul3A_276 = arith.muli %scan3A_231, %mul3A_275 : i32
      %add3A_277 = arith.constant 5 : i32
      %add3A_278 = arith.addi %mul3A_276, %add3A_277 : i32
      %swap3A_279 = arith.index_cast %add3A_278 : i32 to index
      %swap3A_280 = memref.load %arg7[%swap3A_279] : memref<512xi32, #tpu.memory_space<smem>>
      memref.store %squeeze3A_274, %arg7[%swap3A_279] : memref<512xi32, #tpu.memory_space<smem>>
      %slice3A_281 = vector.extract_strided_slice %get3A_235 {offsets = [6], sizes = [1], strides = [1]} : vector<16xi32> to vector<1xi32>
      %squeeze3A_282 = vector.extract %slice3A_281[0] : i32 from vector<1xi32>
      %mul3A_283 = arith.constant 16 : i32
      %mul3A_284 = arith.muli %scan3A_231, %mul3A_283 : i32
      %add3A_285 = arith.constant 6 : i32
      %add3A_286 = arith.addi %mul3A_284, %add3A_285 : i32
      %swap3A_287 = arith.index_cast %add3A_286 : i32 to index
      %swap3A_288 = memref.load %arg7[%swap3A_287] : memref<512xi32, #tpu.memory_space<smem>>
      memref.store %squeeze3A_282, %arg7[%swap3A_287] : memref<512xi32, #tpu.memory_space<smem>>
      %slice3A_289 = vector.extract_strided_slice %get3A_235 {offsets = [7], sizes = [1], strides = [1]} : vector<16xi32> to vector<1xi32>
      %squeeze3A_290 = vector.extract %slice3A_289[0] : i32 from vector<1xi32>
      %mul3A_291 = arith.constant 16 : i32
      %mul3A_292 = arith.muli %scan3A_231, %mul3A_291 : i32
      %add3A_293 = arith.constant 7 : i32
      %add3A_294 = arith.addi %mul3A_292, %add3A_293 : i32
      %swap3A_295 = arith.index_cast %add3A_294 : i32 to index
      %swap3A_296 = memref.load %arg7[%swap3A_295] : memref<512xi32, #tpu.memory_space<smem>>
      memref.store %squeeze3A_290, %arg7[%swap3A_295] : memref<512xi32, #tpu.memory_space<smem>>
      %slice3A_297 = vector.extract_strided_slice %get3A_235 {offsets = [8], sizes = [1], strides = [1]} : vector<16xi32> to vector<1xi32>
      %squeeze3A_298 = vector.extract %slice3A_297[0] : i32 from vector<1xi32>
      %mul3A_299 = arith.constant 16 : i32
      %mul3A_300 = arith.muli %scan3A_231, %mul3A_299 : i32
      %add3A_301 = arith.constant 8 : i32
      %add3A_302 = arith.addi %mul3A_300, %add3A_301 : i32
      %swap3A_303 = arith.index_cast %add3A_302 : i32 to index
      %swap3A_304 = memref.load %arg7[%swap3A_303] : memref<512xi32, #tpu.memory_space<smem>>
      memref.store %squeeze3A_298, %arg7[%swap3A_303] : memref<512xi32, #tpu.memory_space<smem>>
      %slice3A_305 = vector.extract_strided_slice %get3A_235 {offsets = [9], sizes = [1], strides = [1]} : vector<16xi32> to vector<1xi32>
      %squeeze3A_306 = vector.extract %slice3A_305[0] : i32 from vector<1xi32>
      %mul3A_307 = arith.constant 16 : i32
      %mul3A_308 = arith.muli %scan3A_231, %mul3A_307 : i32
      %add3A_309 = arith.constant 9 : i32
      %add3A_310 = arith.addi %mul3A_308, %add3A_309 : i32
      %swap3A_311 = arith.index_cast %add3A_310 : i32 to index
      %swap3A_312 = memref.load %arg7[%swap3A_311] : memref<512xi32, #tpu.memory_space<smem>>
      memref.store %squeeze3A_306, %arg7[%swap3A_311] : memref<512xi32, #tpu.memory_space<smem>>
      %slice3A_313 = vector.extract_strided_slice %get3A_235 {offsets = [10], sizes = [1], strides = [1]} : vector<16xi32> to vector<1xi32>
      %squeeze3A_314 = vector.extract %slice3A_313[0] : i32 from vector<1xi32>
      %mul3A_315 = arith.constant 16 : i32
      %mul3A_316 = arith.muli %scan3A_231, %mul3A_315 : i32
      %add3A_317 = arith.constant 10 : i32
      %add3A_318 = arith.addi %mul3A_316, %add3A_317 : i32
      %swap3A_319 = arith.index_cast %add3A_318 : i32 to index
      %swap3A_320 = memref.load %arg7[%swap3A_319] : memref<512xi32, #tpu.memory_space<smem>>
      memref.store %squeeze3A_314, %arg7[%swap3A_319] : memref<512xi32, #tpu.memory_space<smem>>
      %slice3A_321 = vector.extract_strided_slice %get3A_235 {offsets = [11], sizes = [1], strides = [1]} : vector<16xi32> to vector<1xi32>
      %squeeze3A_322 = vector.extract %slice3A_321[0] : i32 from vector<1xi32>
      %mul3A_323 = arith.constant 16 : i32
      %mul3A_324 = arith.muli %scan3A_231, %mul3A_323 : i32
      %add3A_325 = arith.constant 11 : i32
      %add3A_326 = arith.addi %mul3A_324, %add3A_325 : i32
      %swap3A_327 = arith.index_cast %add3A_326 : i32 to index
      %swap3A_328 = memref.load %arg7[%swap3A_327] : memref<512xi32, #tpu.memory_space<smem>>
      memref.store %squeeze3A_322, %arg7[%swap3A_327] : memref<512xi32, #tpu.memory_space<smem>>
      %slice3A_329 = vector.extract_strided_slice %get3A_235 {offsets = [12], sizes = [1], strides = [1]} : vector<16xi32> to vector<1xi32>
      %squeeze3A_330 = vector.extract %slice3A_329[0] : i32 from vector<1xi32>
      %mul3A_331 = arith.constant 16 : i32
      %mul3A_332 = arith.muli %scan3A_231, %mul3A_331 : i32
      %add3A_333 = arith.constant 12 : i32
      %add3A_334 = arith.addi %mul3A_332, %add3A_333 : i32
      %swap3A_335 = arith.index_cast %add3A_334 : i32 to index
      %swap3A_336 = memref.load %arg7[%swap3A_335] : memref<512xi32, #tpu.memory_space<smem>>
      memref.store %squeeze3A_330, %arg7[%swap3A_335] : memref<512xi32, #tpu.memory_space<smem>>
      %slice3A_337 = vector.extract_strided_slice %get3A_235 {offsets = [13], sizes = [1], strides = [1]} : vector<16xi32> to vector<1xi32>
      %squeeze3A_338 = vector.extract %slice3A_337[0] : i32 from vector<1xi32>
      %mul3A_339 = arith.constant 16 : i32
      %mul3A_340 = arith.muli %scan3A_231, %mul3A_339 : i32
      %add3A_341 = arith.constant 13 : i32
      %add3A_342 = arith.addi %mul3A_340, %add3A_341 : i32
      %swap3A_343 = arith.index_cast %add3A_342 : i32 to index
      %swap3A_344 = memref.load %arg7[%swap3A_343] : memref<512xi32, #tpu.memory_space<smem>>
      memref.store %squeeze3A_338, %arg7[%swap3A_343] : memref<512xi32, #tpu.memory_space<smem>>
      %slice3A_345 = vector.extract_strided_slice %get3A_235 {offsets = [14], sizes = [1], strides = [1]} : vector<16xi32> to vector<1xi32>
      %squeeze3A_346 = vector.extract %slice3A_345[0] : i32 from vector<1xi32>
      %mul3A_347 = arith.constant 16 : i32
      %mul3A_348 = arith.muli %scan3A_231, %mul3A_347 : i32
      %add3A_349 = arith.constant 14 : i32
      %add3A_350 = arith.addi %mul3A_348, %add3A_349 : i32
      %swap3A_351 = arith.index_cast %add3A_350 : i32 to index
      %swap3A_352 = memref.load %arg7[%swap3A_351] : memref<512xi32, #tpu.memory_space<smem>>
      memref.store %squeeze3A_346, %arg7[%swap3A_351] : memref<512xi32, #tpu.memory_space<smem>>
      %slice3A_353 = vector.extract_strided_slice %get3A_235 {offsets = [15], sizes = [1], strides = [1]} : vector<16xi32> to vector<1xi32>
      %squeeze3A_354 = vector.extract %slice3A_353[0] : i32 from vector<1xi32>
      %mul3A_355 = arith.constant 16 : i32
      %mul3A_356 = arith.muli %scan3A_231, %mul3A_355 : i32
      %add3A_357 = arith.constant 15 : i32
      %add3A_358 = arith.addi %mul3A_356, %add3A_357 : i32
      %swap3A_359 = arith.index_cast %add3A_358 : i32 to index
      %swap3A_360 = memref.load %arg7[%swap3A_359] : memref<512xi32, #tpu.memory_space<smem>>
      memref.store %squeeze3A_354, %arg7[%swap3A_359] : memref<512xi32, #tpu.memory_space<smem>>
    }
    %scan3A_37 = arith.constant 32 : i32
    %get3A = arith.constant 0 : i32
    %get3A_38 = arith.index_cast %get3A : i32 to index
    %get3A_39 = memref.load %arg7[%get3A_38] : memref<512xi32, #tpu.memory_space<smem>>
    %shift_right_arithmetic3A = arith.constant 7 : i32
    %shift_right_arithmetic3A_40 = arith.shrsi %get3A_39, %shift_right_arithmetic3A : i32
    %get3A_41 = arith.constant 511 : i32
    %get3A_42 = arith.index_cast %get3A_41 : i32 to index
    %get3A_43 = memref.load %arg7[%get3A_42] : memref<512xi32, #tpu.memory_space<smem>>
    %shift_right_arithmetic3A_44 = arith.constant 7 : i32
    %shift_right_arithmetic3A_45 = arith.shrsi %get3A_43, %shift_right_arithmetic3A_44 : i32
    %sub3A = arith.subi %shift_right_arithmetic3A_45, %shift_right_arithmetic3A_40 : i32
    %jit3A = arith.constant 2 : i32
    %div3A = arith.divsi %sub3A, %jit3A : i32
    %sign3A = arith.constant 0 : i32
    %sign3A_46 = arith.cmpi sgt, %sub3A, %sign3A : i32
    %sign3A_47 = arith.extui %sign3A_46 : i1 to i32
    %sign3A_48 = arith.constant 0 : i32
    %sign3A_49 = arith.cmpi slt, %sub3A, %sign3A_48 : i32
    %sign3A_50 = arith.extui %sign3A_49 : i1 to i32
    %sign3A_51 = arith.subi %sign3A_47, %sign3A_50 : i32
    %sign3A_52 = arith.constant 0 : i32
    %sign3A_53 = arith.cmpi sgt, %jit3A, %sign3A_52 : i32
    %sign3A_54 = arith.extui %sign3A_53 : i1 to i32
    %sign3A_55 = arith.constant 0 : i32
    %sign3A_56 = arith.cmpi slt, %jit3A, %sign3A_55 : i32
    %sign3A_57 = arith.extui %sign3A_56 : i1 to i32
    %sign3A_58 = arith.subi %sign3A_54, %sign3A_57 : i32
    %ne3A = arith.cmpi ne, %sign3A_51, %sign3A_58 : i32
    %rem3A = arith.remsi %sub3A, %jit3A : i32
    %ne3A_59 = arith.constant 0 : i32
    %ne3A_60 = arith.cmpi ne, %rem3A, %ne3A_59 : i32
    %and3A = arith.andi %ne3A, %ne3A_60 : i1
    %sub3A_61 = arith.constant 1 : i32
    %sub3A_62 = arith.subi %div3A, %sub3A_61 : i32
    %select_n3A = arith.select %and3A, %sub3A_62, %div3A : i32
    %add3A_63 = arith.constant 1 : i32
    %add3A_64 = arith.addi %select_n3A, %add3A_63 : i32
    %add3A_65 = arith.constant 3 : i32
    %add3A_66 = arith.addi %add3A_64, %add3A_65 : i32
    %sub3A_67 = arith.constant 1 : i32
    %sub3A_68 = arith.subi %add3A_66, %sub3A_67 : i32
    %jit3A_69 = arith.constant 3 : i32
    %div3A_70 = arith.divsi %sub3A_68, %jit3A_69 : i32
    %sign3A_71 = arith.constant 0 : i32
    %sign3A_72 = arith.cmpi sgt, %sub3A_68, %sign3A_71 : i32
    %sign3A_73 = arith.extui %sign3A_72 : i1 to i32
    %sign3A_74 = arith.constant 0 : i32
    %sign3A_75 = arith.cmpi slt, %sub3A_68, %sign3A_74 : i32
    %sign3A_76 = arith.extui %sign3A_75 : i1 to i32
    %sign3A_77 = arith.subi %sign3A_73, %sign3A_76 : i32
    %sign3A_78 = arith.constant 0 : i32
    %sign3A_79 = arith.cmpi sgt, %jit3A_69, %sign3A_78 : i32
    %sign3A_80 = arith.extui %sign3A_79 : i1 to i32
    %sign3A_81 = arith.constant 0 : i32
    %sign3A_82 = arith.cmpi slt, %jit3A_69, %sign3A_81 : i32
    %sign3A_83 = arith.extui %sign3A_82 : i1 to i32
    %sign3A_84 = arith.subi %sign3A_80, %sign3A_83 : i32
    %ne3A_85 = arith.cmpi ne, %sign3A_77, %sign3A_84 : i32
    %rem3A_86 = arith.remsi %sub3A_68, %jit3A_69 : i32
    %ne3A_87 = arith.constant 0 : i32
    %ne3A_88 = arith.cmpi ne, %rem3A_86, %ne3A_87 : i32
    %and3A_89 = arith.andi %ne3A_85, %ne3A_88 : i1
    %sub3A_90 = arith.constant 1 : i32
    %sub3A_91 = arith.subi %div3A_70, %sub3A_90 : i32
    %select_n3A_92 = arith.select %and3A_89, %sub3A_91, %div3A_70 : i32
    %add3A_93 = arith.constant 0 : i32
    %add3A_94 = arith.addi %shift_right_arithmetic3A_40, %add3A_93 : i32
    %min3A = arith.constant 7811 : i32
    %min3A_95 = arith.minsi %add3A_94, %min3A : i32
    %mul3A_96 = arith.constant 128 : i32
    %mul3A_97 = arith.muli %min3A_95, %mul3A_96 : i32
    %multiple_of3A = tpu.assume_multiple %mul3A_97, 128 : i32
    %dma_start3A_98 = arith.constant 0 : i32
    %dma_start3A_99 = tpu.memref_slice %arg2[%dma_start3A_98, %multiple_of3A] : memref<64x1000000xf32, #tpu.memory_space<hbm>> -> memref<64x256xf32, #tpu.memory_space<hbm>>
    %dma_start3A_100 = arith.constant 0 : i32
    %dma_start3A_101 = tpu.memref_slice %arg2[%dma_start3A_100, %multiple_of3A] : memref<64x1000000xf32, #tpu.memory_space<hbm>> -> memref<64x256xf32, #tpu.memory_space<hbm>>
    tpu.enqueue_dma source(%dma_start3A_101 : memref<64x256xf32, #tpu.memory_space<hbm>>) target(%arg12 : memref<64x256xf32, #tpu.memory_space<vmem>>) target_semaphore(%arg15 : memref<!tpu.dma_semaphore, #tpu.memory_space<semaphore_mem>>)
    %add3A_102 = arith.constant 2 : i32
    %add3A_103 = arith.addi %shift_right_arithmetic3A_40, %add3A_102 : i32
    %min3A_104 = arith.constant 7811 : i32
    %min3A_105 = arith.minsi %add3A_103, %min3A_104 : i32
    %mul3A_106 = arith.constant 128 : i32
    %mul3A_107 = arith.muli %min3A_105, %mul3A_106 : i32
    %multiple_of3A_108 = tpu.assume_multiple %mul3A_107, 128 : i32
    %dma_start3A_109 = arith.constant 0 : i32
    %dma_start3A_110 = tpu.memref_slice %arg2[%dma_start3A_109, %multiple_of3A_108] : memref<64x1000000xf32, #tpu.memory_space<hbm>> -> memref<64x256xf32, #tpu.memory_space<hbm>>
    %dma_start3A_111 = arith.constant 0 : i32
    %dma_start3A_112 = tpu.memref_slice %arg2[%dma_start3A_111, %multiple_of3A_108] : memref<64x1000000xf32, #tpu.memory_space<hbm>> -> memref<64x256xf32, #tpu.memory_space<hbm>>
    tpu.enqueue_dma source(%dma_start3A_112 : memref<64x256xf32, #tpu.memory_space<hbm>>) target(%arg13 : memref<64x256xf32, #tpu.memory_space<vmem>>) target_semaphore(%arg16 : memref<!tpu.dma_semaphore, #tpu.memory_space<semaphore_mem>>)
    %add3A_113 = arith.constant 4 : i32
    %add3A_114 = arith.addi %shift_right_arithmetic3A_40, %add3A_113 : i32
    %min3A_115 = arith.constant 7811 : i32
    %min3A_116 = arith.minsi %add3A_114, %min3A_115 : i32
    %mul3A_117 = arith.constant 128 : i32
    %mul3A_118 = arith.muli %min3A_116, %mul3A_117 : i32
    %multiple_of3A_119 = tpu.assume_multiple %mul3A_118, 128 : i32
    %dma_start3A_120 = arith.constant 0 : i32
    %dma_start3A_121 = tpu.memref_slice %arg2[%dma_start3A_120, %multiple_of3A_119] : memref<64x1000000xf32, #tpu.memory_space<hbm>> -> memref<64x256xf32, #tpu.memory_space<hbm>>
    %dma_start3A_122 = arith.constant 0 : i32
    %dma_start3A_123 = tpu.memref_slice %arg2[%dma_start3A_122, %multiple_of3A_119] : memref<64x1000000xf32, #tpu.memory_space<hbm>> -> memref<64x256xf32, #tpu.memory_space<hbm>>
    tpu.enqueue_dma source(%dma_start3A_123 : memref<64x256xf32, #tpu.memory_space<hbm>>) target(%arg14 : memref<64x256xf32, #tpu.memory_space<vmem>>) target_semaphore(%arg17 : memref<!tpu.dma_semaphore, #tpu.memory_space<semaphore_mem>>)
    %iota3A = tpu.iota {dimensions = array<i32: 0>} : vector<16xi32>
    %while3A = arith.constant 0 : i32
    %while3A_124 = arith.constant 0 : i32
    %while3A_125 = arith.subi %select_n3A_92, %while3A_124 : i32
    %while3A_126 = arith.addi %while3A_124, %while3A_125 : i32
    %while3A_127 = arith.constant 1 : i32
    %while3A_128 = arith.divsi %while3A_125, %while3A_127 : i32
    %while3A_129 = arith.muli %while3A_128, %while3A_127 : i32
    %while3A_130 = arith.addi %while3A_124, %while3A_129 : i32
    %while3A_131 = arith.constant 1 : i32
    scf.for %while3A_231 = %while3A_124 to %while3A_130 step %while3A_131  : i32 {
      %mul3A_232 = arith.constant 3 : i32
      %mul3A_233 = arith.muli %while3A_231, %mul3A_232 : i32
      %get3A_234 = arith.index_cast %mul3A_233 : i32 to index
      %get3A_235 = tpu.vector_load %arg9[%get3A_234] {strides = array<i32>} : memref<3968xi32, #tpu.memory_space<vmem>>, vector<16xi32>,
      %mul3A_236 = arith.constant 3 : i32
      %mul3A_237 = arith.muli %while3A_231, %mul3A_236 : i32
      %add3A_238 = arith.constant 0 : i32
      %add3A_239 = arith.addi %mul3A_237, %add3A_238 : i32
      %dma_wait3A_240 = arith.constant 0 : i32
      %dma_wait3A_241 = arith.constant 0 : i32
      %dma_wait3A_242 = tpu.memref_slice %arg2[%dma_wait3A_240, %dma_wait3A_241] : memref<64x1000000xf32, #tpu.memory_space<hbm>> -> memref<64x256xf32, #tpu.memory_space<hbm>>
      %dma_wait3A_243 = arith.constant 0 : i32
      %dma_wait3A_244 = arith.constant 0 : i32
      %dma_wait3A_245 = tpu.memref_slice %arg2[%dma_wait3A_243, %dma_wait3A_244] : memref<64x1000000xf32, #tpu.memory_space<hbm>> -> memref<64x256xf32, #tpu.memory_space<hbm>>
      tpu.wait_dma2 semaphore(%arg15 : memref<!tpu.dma_semaphore, #tpu.memory_space<semaphore_mem>>) src(%dma_wait3A_245 : memref<64x256xf32, #tpu.memory_space<hbm>>) dst(%arg12 : memref<64x256xf32, #tpu.memory_space<vmem>>)
      %mul3A_246 = arith.constant 2 : i32
      %mul3A_247 = arith.muli %add3A_239, %mul3A_246 : i32
      %add3A_248 = arith.addi %shift_right_arithmetic3A_40, %mul3A_247 : i32
      %min3A_249 = arith.constant 7811 : i32
      %min3A_250 = arith.minsi %add3A_248, %min3A_249 : i32
      %mul3A_251 = arith.constant 128 : i32
      %mul3A_252 = arith.muli %min3A_250, %mul3A_251 : i32
      %multiple_of3A_253 = tpu.assume_multiple %mul3A_252, 128 : i32
      %slice3A = vector.extract_strided_slice %get3A_235 {offsets = [0], sizes = [1], strides = [1]} : vector<16xi32> to vector<1xi32>
      %squeeze3A = vector.extract %slice3A[0] : i32 from vector<1xi32>
      %slice3A_254 = vector.extract_strided_slice %get3A_235 {offsets = [1], sizes = [1], strides = [1]} : vector<16xi32> to vector<1xi32>
      %squeeze3A_255 = vector.extract %slice3A_254[0] : i32 from vector<1xi32>
      %while3A_256 = arith.constant 0 : i32
      %while3A_257 = arith.subi %squeeze3A_255, %squeeze3A : i32
      %while3A_258 = arith.addi %squeeze3A, %while3A_257 : i32
      %while3A_259 = arith.constant 1 : i32
      %while3A_260 = arith.divsi %while3A_257, %while3A_259 : i32
      %while3A_261 = arith.muli %while3A_260, %while3A_259 : i32
      %while3A_262 = arith.addi %squeeze3A, %while3A_261 : i32
      %while3A_263 = arith.constant 1 : i32
      scf.for %while3A_369 = %squeeze3A to %while3A_262 step %while3A_263  : i32 {
        %get3A_370 = arith.index_cast %while3A_369 : i32 to index
        %get3A_371 = memref.load %arg7[%get3A_370] : memref<512xi32, #tpu.memory_space<smem>>
        %sub3A_372 = arith.subi %get3A_371, %multiple_of3A_253 : i32
        %broadcast_in_dim3A = vector.broadcast %sub3A_372 : i32 to vector<16xi32>
        %add3A_373 = arith.constant 0 : i32
        %add3A_374 = vector.broadcast %add3A_373 : i32 to vector<16xi32>
        %add3A_375 = arith.addi %iota3A, %add3A_374 : vector<16xi32>
        %gather3A = tpu.vector_load_idx %arg12[%add3A_375, %broadcast_in_dim3A] : memref<64x256xf32, #tpu.memory_space<vmem>>[vector<16xi32>, vector<16xi32>], vector<16xf32>,
        %swap3A = arith.index_cast %while3A_369 : i32 to index
        %swap3A_376 = arith.constant 0 : index
        %swap3A_377 = tpu.vector_load %arg11[%swap3A, %swap3A_376] {strides = array<i32>} : memref<512x128xf32, #tpu.memory_space<vmem>>, vector<16xf32>,
        tpu.vector_store %arg11[%swap3A, %swap3A_376], %gather3A {strides = array<i32>} : memref<512x128xf32, #tpu.memory_space<vmem>>, vector<16xf32>,
        %add3A_378 = arith.constant 16 : i32
        %add3A_379 = vector.broadcast %add3A_378 : i32 to vector<16xi32>
        %add3A_380 = arith.addi %iota3A, %add3A_379 : vector<16xi32>
        %gather3A_381 = tpu.vector_load_idx %arg12[%add3A_380, %broadcast_in_dim3A] : memref<64x256xf32, #tpu.memory_space<vmem>>[vector<16xi32>, vector<16xi32>], vector<16xf32>,
        %swap3A_382 = arith.index_cast %while3A_369 : i32 to index
        %swap3A_383 = arith.constant 16 : index
        %swap3A_384 = tpu.vector_load %arg11[%swap3A_382, %swap3A_383] {strides = array<i32>} : memref<512x128xf32, #tpu.memory_space<vmem>>, vector<16xf32>,
        tpu.vector_store %arg11[%swap3A_382, %swap3A_383], %gather3A_381 {strides = array<i32>} : memref<512x128xf32, #tpu.memory_space<vmem>>, vector<16xf32>,
        %add3A_385 = arith.constant 32 : i32
        %add3A_386 = vector.broadcast %add3A_385 : i32 to vector<16xi32>
        %add3A_387 = arith.addi %iota3A, %add3A_386 : vector<16xi32>
        %gather3A_388 = tpu.vector_load_idx %arg12[%add3A_387, %broadcast_in_dim3A] : memref<64x256xf32, #tpu.memory_space<vmem>>[vector<16xi32>, vector<16xi32>], vector<16xf32>,
        %swap3A_389 = arith.index_cast %while3A_369 : i32 to index
        %swap3A_390 = arith.constant 32 : index
        %swap3A_391 = tpu.vector_load %arg11[%swap3A_389, %swap3A_390] {strides = array<i32>} : memref<512x128xf32, #tpu.memory_space<vmem>>, vector<16xf32>,
        tpu.vector_store %arg11[%swap3A_389, %swap3A_390], %gather3A_388 {strides = array<i32>} : memref<512x128xf32, #tpu.memory_space<vmem>>, vector<16xf32>,
        %add3A_392 = arith.constant 48 : i32
        %add3A_393 = vector.broadcast %add3A_392 : i32 to vector<16xi32>
        %add3A_394 = arith.addi %iota3A, %add3A_393 : vector<16xi32>
        %gather3A_395 = tpu.vector_load_idx %arg12[%add3A_394, %broadcast_in_dim3A] : memref<64x256xf32, #tpu.memory_space<vmem>>[vector<16xi32>, vector<16xi32>], vector<16xf32>,
        %swap3A_396 = arith.index_cast %while3A_369 : i32 to index
        %swap3A_397 = arith.constant 48 : index
        %swap3A_398 = tpu.vector_load %arg11[%swap3A_396, %swap3A_397] {strides = array<i32>} : memref<512x128xf32, #tpu.memory_space<vmem>>, vector<16xf32>,
        tpu.vector_store %arg11[%swap3A_396, %swap3A_397], %gather3A_395 {strides = array<i32>} : memref<512x128xf32, #tpu.memory_space<vmem>>, vector<16xf32>,
      }
      %while3A_264 = arith.constant 1 : i32
      scf.for %while3A_369 = %while3A_262 to %while3A_258 step %while3A_264  : i32 {
        %get3A_370 = arith.index_cast %while3A_369 : i32 to index
        %get3A_371 = memref.load %arg7[%get3A_370] : memref<512xi32, #tpu.memory_space<smem>>
        %sub3A_372 = arith.subi %get3A_371, %multiple_of3A_253 : i32
        %broadcast_in_dim3A = vector.broadcast %sub3A_372 : i32 to vector<16xi32>
        %add3A_373 = arith.constant 0 : i32
        %add3A_374 = vector.broadcast %add3A_373 : i32 to vector<16xi32>
        %add3A_375 = arith.addi %iota3A, %add3A_374 : vector<16xi32>
        %gather3A = tpu.vector_load_idx %arg12[%add3A_375, %broadcast_in_dim3A] : memref<64x256xf32, #tpu.memory_space<vmem>>[vector<16xi32>, vector<16xi32>], vector<16xf32>,
        %swap3A = arith.index_cast %while3A_369 : i32 to index
        %swap3A_376 = arith.constant 0 : index
        %swap3A_377 = tpu.vector_load %arg11[%swap3A, %swap3A_376] {strides = array<i32>} : memref<512x128xf32, #tpu.memory_space<vmem>>, vector<16xf32>,
        tpu.vector_store %arg11[%swap3A, %swap3A_376], %gather3A {strides = array<i32>} : memref<512x128xf32, #tpu.memory_space<vmem>>, vector<16xf32>,
        %add3A_378 = arith.constant 16 : i32
        %add3A_379 = vector.broadcast %add3A_378 : i32 to vector<16xi32>
        %add3A_380 = arith.addi %iota3A, %add3A_379 : vector<16xi32>
        %gather3A_381 = tpu.vector_load_idx %arg12[%add3A_380, %broadcast_in_dim3A] : memref<64x256xf32, #tpu.memory_space<vmem>>[vector<16xi32>, vector<16xi32>], vector<16xf32>,
        %swap3A_382 = arith.index_cast %while3A_369 : i32 to index
        %swap3A_383 = arith.constant 16 : index
        %swap3A_384 = tpu.vector_load %arg11[%swap3A_382, %swap3A_383] {strides = array<i32>} : memref<512x128xf32, #tpu.memory_space<vmem>>, vector<16xf32>,
        tpu.vector_store %arg11[%swap3A_382, %swap3A_383], %gather3A_381 {strides = array<i32>} : memref<512x128xf32, #tpu.memory_space<vmem>>, vector<16xf32>,
        %add3A_385 = arith.constant 32 : i32
        %add3A_386 = vector.broadcast %add3A_385 : i32 to vector<16xi32>
        %add3A_387 = arith.addi %iota3A, %add3A_386 : vector<16xi32>
        %gather3A_388 = tpu.vector_load_idx %arg12[%add3A_387, %broadcast_in_dim3A] : memref<64x256xf32, #tpu.memory_space<vmem>>[vector<16xi32>, vector<16xi32>], vector<16xf32>,
        %swap3A_389 = arith.index_cast %while3A_369 : i32 to index
        %swap3A_390 = arith.constant 32 : index
        %swap3A_391 = tpu.vector_load %arg11[%swap3A_389, %swap3A_390] {strides = array<i32>} : memref<512x128xf32, #tpu.memory_space<vmem>>, vector<16xf32>,
        tpu.vector_store %arg11[%swap3A_389, %swap3A_390], %gather3A_388 {strides = array<i32>} : memref<512x128xf32, #tpu.memory_space<vmem>>, vector<16xf32>,
        %add3A_392 = arith.constant 48 : i32
        %add3A_393 = vector.broadcast %add3A_392 : i32 to vector<16xi32>
        %add3A_394 = arith.addi %iota3A, %add3A_393 : vector<16xi32>
        %gather3A_395 = tpu.vector_load_idx %arg12[%add3A_394, %broadcast_in_dim3A] : memref<64x256xf32, #tpu.memory_space<vmem>>[vector<16xi32>, vector<16xi32>], vector<16xf32>,
        %swap3A_396 = arith.index_cast %while3A_369 : i32 to index
        %swap3A_397 = arith.constant 48 : index
        %swap3A_398 = tpu.vector_load %arg11[%swap3A_396, %swap3A_397] {strides = array<i32>} : memref<512x128xf32, #tpu.memory_space<vmem>>, vector<16xf32>,
        tpu.vector_store %arg11[%swap3A_396, %swap3A_397], %gather3A_395 {strides = array<i32>} : memref<512x128xf32, #tpu.memory_space<vmem>>, vector<16xf32>,
      }
      %add3A_265 = arith.constant 3 : i32
      %add3A_266 = arith.addi %add3A_239, %add3A_265 : i32
      %mul3A_267 = arith.constant 2 : i32
      %mul3A_268 = arith.muli %add3A_266, %mul3A_267 : i32
      %add3A_269 = arith.addi %shift_right_arithmetic3A_40, %mul3A_268 : i32
      %min3A_270 = arith.constant 7811 : i32
      %min3A_271 = arith.minsi %add3A_269, %min3A_270 : i32
      %mul3A_272 = arith.constant 128 : i32
      %mul3A_273 = arith.muli %min3A_271, %mul3A_272 : i32
      %multiple_of3A_274 = tpu.assume_multiple %mul3A_273, 128 : i32
      %dma_start3A_275 = arith.constant 0 : i32
      %dma_start3A_276 = tpu.memref_slice %arg2[%dma_start3A_275, %multiple_of3A_274] : memref<64x1000000xf32, #tpu.memory_space<hbm>> -> memref<64x256xf32, #tpu.memory_space<hbm>>
      %dma_start3A_277 = arith.constant 0 : i32
      %dma_start3A_278 = tpu.memref_slice %arg2[%dma_start3A_277, %multiple_of3A_274] : memref<64x1000000xf32, #tpu.memory_space<hbm>> -> memref<64x256xf32, #tpu.memory_space<hbm>>
      tpu.enqueue_dma source(%dma_start3A_278 : memref<64x256xf32, #tpu.memory_space<hbm>>) target(%arg12 : memref<64x256xf32, #tpu.memory_space<vmem>>) target_semaphore(%arg15 : memref<!tpu.dma_semaphore, #tpu.memory_space<semaphore_mem>>)
      %mul3A_279 = arith.constant 3 : i32
      %mul3A_280 = arith.muli %while3A_231, %mul3A_279 : i32
      %add3A_281 = arith.constant 1 : i32
      %add3A_282 = arith.addi %mul3A_280, %add3A_281 : i32
      %dma_wait3A_283 = arith.constant 0 : i32
      %dma_wait3A_284 = arith.constant 0 : i32
      %dma_wait3A_285 = tpu.memref_slice %arg2[%dma_wait3A_283, %dma_wait3A_284] : memref<64x1000000xf32, #tpu.memory_space<hbm>> -> memref<64x256xf32, #tpu.memory_space<hbm>>
      %dma_wait3A_286 = arith.constant 0 : i32
      %dma_wait3A_287 = arith.constant 0 : i32
      %dma_wait3A_288 = tpu.memref_slice %arg2[%dma_wait3A_286, %dma_wait3A_287] : memref<64x1000000xf32, #tpu.memory_space<hbm>> -> memref<64x256xf32, #tpu.memory_space<hbm>>
      tpu.wait_dma2 semaphore(%arg16 : memref<!tpu.dma_semaphore, #tpu.memory_space<semaphore_mem>>) src(%dma_wait3A_288 : memref<64x256xf32, #tpu.memory_space<hbm>>) dst(%arg13 : memref<64x256xf32, #tpu.memory_space<vmem>>)
      %mul3A_289 = arith.constant 2 : i32
      %mul3A_290 = arith.muli %add3A_282, %mul3A_289 : i32
      %add3A_291 = arith.addi %shift_right_arithmetic3A_40, %mul3A_290 : i32
      %min3A_292 = arith.constant 7811 : i32
      %min3A_293 = arith.minsi %add3A_291, %min3A_292 : i32
      %mul3A_294 = arith.constant 128 : i32
      %mul3A_295 = arith.muli %min3A_293, %mul3A_294 : i32
      %multiple_of3A_296 = tpu.assume_multiple %mul3A_295, 128 : i32
      %slice3A_297 = vector.extract_strided_slice %get3A_235 {offsets = [1], sizes = [1], strides = [1]} : vector<16xi32> to vector<1xi32>
      %squeeze3A_298 = vector.extract %slice3A_297[0] : i32 from vector<1xi32>
      %slice3A_299 = vector.extract_strided_slice %get3A_235 {offsets = [2], sizes = [1], strides = [1]} : vector<16xi32> to vector<1xi32>
      %squeeze3A_300 = vector.extract %slice3A_299[0] : i32 from vector<1xi32>
      %while3A_301 = arith.constant 0 : i32
      %while3A_302 = arith.subi %squeeze3A_300, %squeeze3A_298 : i32
      %while3A_303 = arith.addi %squeeze3A_298, %while3A_302 : i32
      %while3A_304 = arith.constant 1 : i32
      %while3A_305 = arith.divsi %while3A_302, %while3A_304 : i32
      %while3A_306 = arith.muli %while3A_305, %while3A_304 : i32
      %while3A_307 = arith.addi %squeeze3A_298, %while3A_306 : i32
      %while3A_308 = arith.constant 1 : i32
      scf.for %while3A_369 = %squeeze3A_298 to %while3A_307 step %while3A_308  : i32 {
        %get3A_370 = arith.index_cast %while3A_369 : i32 to index
        %get3A_371 = memref.load %arg7[%get3A_370] : memref<512xi32, #tpu.memory_space<smem>>
        %sub3A_372 = arith.subi %get3A_371, %multiple_of3A_296 : i32
        %broadcast_in_dim3A = vector.broadcast %sub3A_372 : i32 to vector<16xi32>
        %add3A_373 = arith.constant 0 : i32
        %add3A_374 = vector.broadcast %add3A_373 : i32 to vector<16xi32>
        %add3A_375 = arith.addi %iota3A, %add3A_374 : vector<16xi32>
        %gather3A = tpu.vector_load_idx %arg13[%add3A_375, %broadcast_in_dim3A] : memref<64x256xf32, #tpu.memory_space<vmem>>[vector<16xi32>, vector<16xi32>], vector<16xf32>,
        %swap3A = arith.index_cast %while3A_369 : i32 to index
        %swap3A_376 = arith.constant 0 : index
        %swap3A_377 = tpu.vector_load %arg11[%swap3A, %swap3A_376] {strides = array<i32>} : memref<512x128xf32, #tpu.memory_space<vmem>>, vector<16xf32>,
        tpu.vector_store %arg11[%swap3A, %swap3A_376], %gather3A {strides = array<i32>} : memref<512x128xf32, #tpu.memory_space<vmem>>, vector<16xf32>,
        %add3A_378 = arith.constant 16 : i32
        %add3A_379 = vector.broadcast %add3A_378 : i32 to vector<16xi32>
        %add3A_380 = arith.addi %iota3A, %add3A_379 : vector<16xi32>
        %gather3A_381 = tpu.vector_load_idx %arg13[%add3A_380, %broadcast_in_dim3A] : memref<64x256xf32, #tpu.memory_space<vmem>>[vector<16xi32>, vector<16xi32>], vector<16xf32>,
        %swap3A_382 = arith.index_cast %while3A_369 : i32 to index
        %swap3A_383 = arith.constant 16 : index
        %swap3A_384 = tpu.vector_load %arg11[%swap3A_382, %swap3A_383] {strides = array<i32>} : memref<512x128xf32, #tpu.memory_space<vmem>>, vector<16xf32>,
        tpu.vector_store %arg11[%swap3A_382, %swap3A_383], %gather3A_381 {strides = array<i32>} : memref<512x128xf32, #tpu.memory_space<vmem>>, vector<16xf32>,
        %add3A_385 = arith.constant 32 : i32
        %add3A_386 = vector.broadcast %add3A_385 : i32 to vector<16xi32>
        %add3A_387 = arith.addi %iota3A, %add3A_386 : vector<16xi32>
        %gather3A_388 = tpu.vector_load_idx %arg13[%add3A_387, %broadcast_in_dim3A] : memref<64x256xf32, #tpu.memory_space<vmem>>[vector<16xi32>, vector<16xi32>], vector<16xf32>,
        %swap3A_389 = arith.index_cast %while3A_369 : i32 to index
        %swap3A_390 = arith.constant 32 : index
        %swap3A_391 = tpu.vector_load %arg11[%swap3A_389, %swap3A_390] {strides = array<i32>} : memref<512x128xf32, #tpu.memory_space<vmem>>, vector<16xf32>,
        tpu.vector_store %arg11[%swap3A_389, %swap3A_390], %gather3A_388 {strides = array<i32>} : memref<512x128xf32, #tpu.memory_space<vmem>>, vector<16xf32>,
        %add3A_392 = arith.constant 48 : i32
        %add3A_393 = vector.broadcast %add3A_392 : i32 to vector<16xi32>
        %add3A_394 = arith.addi %iota3A, %add3A_393 : vector<16xi32>
        %gather3A_395 = tpu.vector_load_idx %arg13[%add3A_394, %broadcast_in_dim3A] : memref<64x256xf32, #tpu.memory_space<vmem>>[vector<16xi32>, vector<16xi32>], vector<16xf32>,
        %swap3A_396 = arith.index_cast %while3A_369 : i32 to index
        %swap3A_397 = arith.constant 48 : index
        %swap3A_398 = tpu.vector_load %arg11[%swap3A_396, %swap3A_397] {strides = array<i32>} : memref<512x128xf32, #tpu.memory_space<vmem>>, vector<16xf32>,
        tpu.vector_store %arg11[%swap3A_396, %swap3A_397], %gather3A_395 {strides = array<i32>} : memref<512x128xf32, #tpu.memory_space<vmem>>, vector<16xf32>,
      }
      %while3A_309 = arith.constant 1 : i32
      scf.for %while3A_369 = %while3A_307 to %while3A_303 step %while3A_309  : i32 {
        %get3A_370 = arith.index_cast %while3A_369 : i32 to index
        %get3A_371 = memref.load %arg7[%get3A_370] : memref<512xi32, #tpu.memory_space<smem>>
        %sub3A_372 = arith.subi %get3A_371, %multiple_of3A_296 : i32
        %broadcast_in_dim3A = vector.broadcast %sub3A_372 : i32 to vector<16xi32>
        %add3A_373 = arith.constant 0 : i32
        %add3A_374 = vector.broadcast %add3A_373 : i32 to vector<16xi32>
        %add3A_375 = arith.addi %iota3A, %add3A_374 : vector<16xi32>
        %gather3A = tpu.vector_load_idx %arg13[%add3A_375, %broadcast_in_dim3A] : memref<64x256xf32, #tpu.memory_space<vmem>>[vector<16xi32>, vector<16xi32>], vector<16xf32>,
        %swap3A = arith.index_cast %while3A_369 : i32 to index
        %swap3A_376 = arith.constant 0 : index
        %swap3A_377 = tpu.vector_load %arg11[%swap3A, %swap3A_376] {strides = array<i32>} : memref<512x128xf32, #tpu.memory_space<vmem>>, vector<16xf32>,
        tpu.vector_store %arg11[%swap3A, %swap3A_376], %gather3A {strides = array<i32>} : memref<512x128xf32, #tpu.memory_space<vmem>>, vector<16xf32>,
        %add3A_378 = arith.constant 16 : i32
        %add3A_379 = vector.broadcast %add3A_378 : i32 to vector<16xi32>
        %add3A_380 = arith.addi %iota3A, %add3A_379 : vector<16xi32>
        %gather3A_381 = tpu.vector_load_idx %arg13[%add3A_380, %broadcast_in_dim3A] : memref<64x256xf32, #tpu.memory_space<vmem>>[vector<16xi32>, vector<16xi32>], vector<16xf32>,
        %swap3A_382 = arith.index_cast %while3A_369 : i32 to index
        %swap3A_383 = arith.constant 16 : index
        %swap3A_384 = tpu.vector_load %arg11[%swap3A_382, %swap3A_383] {strides = array<i32>} : memref<512x128xf32, #tpu.memory_space<vmem>>, vector<16xf32>,
        tpu.vector_store %arg11[%swap3A_382, %swap3A_383], %gather3A_381 {strides = array<i32>} : memref<512x128xf32, #tpu.memory_space<vmem>>, vector<16xf32>,
        %add3A_385 = arith.constant 32 : i32
        %add3A_386 = vector.broadcast %add3A_385 : i32 to vector<16xi32>
        %add3A_387 = arith.addi %iota3A, %add3A_386 : vector<16xi32>
        %gather3A_388 = tpu.vector_load_idx %arg13[%add3A_387, %broadcast_in_dim3A] : memref<64x256xf32, #tpu.memory_space<vmem>>[vector<16xi32>, vector<16xi32>], vector<16xf32>,
        %swap3A_389 = arith.index_cast %while3A_369 : i32 to index
        %swap3A_390 = arith.constant 32 : index
        %swap3A_391 = tpu.vector_load %arg11[%swap3A_389, %swap3A_390] {strides = array<i32>} : memref<512x128xf32, #tpu.memory_space<vmem>>, vector<16xf32>,
        tpu.vector_store %arg11[%swap3A_389, %swap3A_390], %gather3A_388 {strides = array<i32>} : memref<512x128xf32, #tpu.memory_space<vmem>>, vector<16xf32>,
        %add3A_392 = arith.constant 48 : i32
        %add3A_393 = vector.broadcast %add3A_392 : i32 to vector<16xi32>
        %add3A_394 = arith.addi %iota3A, %add3A_393 : vector<16xi32>
        %gather3A_395 = tpu.vector_load_idx %arg13[%add3A_394, %broadcast_in_dim3A] : memref<64x256xf32, #tpu.memory_space<vmem>>[vector<16xi32>, vector<16xi32>], vector<16xf32>,
        %swap3A_396 = arith.index_cast %while3A_369 : i32 to index
        %swap3A_397 = arith.constant 48 : index
        %swap3A_398 = tpu.vector_load %arg11[%swap3A_396, %swap3A_397] {strides = array<i32>} : memref<512x128xf32, #tpu.memory_space<vmem>>, vector<16xf32>,
        tpu.vector_store %arg11[%swap3A_396, %swap3A_397], %gather3A_395 {strides = array<i32>} : memref<512x128xf32, #tpu.memory_space<vmem>>, vector<16xf32>,
      }
      %add3A_310 = arith.constant 3 : i32
      %add3A_311 = arith.addi %add3A_282, %add3A_310 : i32
      %mul3A_312 = arith.constant 2 : i32
      %mul3A_313 = arith.muli %add3A_311, %mul3A_312 : i32
      %add3A_314 = arith.addi %shift_right_arithmetic3A_40, %mul3A_313 : i32
      %min3A_315 = arith.constant 7811 : i32
      %min3A_316 = arith.minsi %add3A_314, %min3A_315 : i32
      %mul3A_317 = arith.constant 128 : i32
      %mul3A_318 = arith.muli %min3A_316, %mul3A_317 : i32
      %multiple_of3A_319 = tpu.assume_multiple %mul3A_318, 128 : i32
      %dma_start3A_320 = arith.constant 0 : i32
      %dma_start3A_321 = tpu.memref_slice %arg2[%dma_start3A_320, %multiple_of3A_319] : memref<64x1000000xf32, #tpu.memory_space<hbm>> -> memref<64x256xf32, #tpu.memory_space<hbm>>
      %dma_start3A_322 = arith.constant 0 : i32
      %dma_start3A_323 = tpu.memref_slice %arg2[%dma_start3A_322, %multiple_of3A_319] : memref<64x1000000xf32, #tpu.memory_space<hbm>> -> memref<64x256xf32, #tpu.memory_space<hbm>>
      tpu.enqueue_dma source(%dma_start3A_323 : memref<64x256xf32, #tpu.memory_space<hbm>>) target(%arg13 : memref<64x256xf32, #tpu.memory_space<vmem>>) target_semaphore(%arg16 : memref<!tpu.dma_semaphore, #tpu.memory_space<semaphore_mem>>)
      %mul3A_324 = arith.constant 3 : i32
      %mul3A_325 = arith.muli %while3A_231, %mul3A_324 : i32
      %add3A_326 = arith.constant 2 : i32
      %add3A_327 = arith.addi %mul3A_325, %add3A_326 : i32
      %dma_wait3A_328 = arith.constant 0 : i32
      %dma_wait3A_329 = arith.constant 0 : i32
      %dma_wait3A_330 = tpu.memref_slice %arg2[%dma_wait3A_328, %dma_wait3A_329] : memref<64x1000000xf32, #tpu.memory_space<hbm>> -> memref<64x256xf32, #tpu.memory_space<hbm>>
      %dma_wait3A_331 = arith.constant 0 : i32
      %dma_wait3A_332 = arith.constant 0 : i32
      %dma_wait3A_333 = tpu.memref_slice %arg2[%dma_wait3A_331, %dma_wait3A_332] : memref<64x1000000xf32, #tpu.memory_space<hbm>> -> memref<64x256xf32, #tpu.memory_space<hbm>>
      tpu.wait_dma2 semaphore(%arg17 : memref<!tpu.dma_semaphore, #tpu.memory_space<semaphore_mem>>) src(%dma_wait3A_333 : memref<64x256xf32, #tpu.memory_space<hbm>>) dst(%arg14 : memref<64x256xf32, #tpu.memory_space<vmem>>)
      %mul3A_334 = arith.constant 2 : i32
      %mul3A_335 = arith.muli %add3A_327, %mul3A_334 : i32
      %add3A_336 = arith.addi %shift_right_arithmetic3A_40, %mul3A_335 : i32
      %min3A_337 = arith.constant 7811 : i32
      %min3A_338 = arith.minsi %add3A_336, %min3A_337 : i32
      %mul3A_339 = arith.constant 128 : i32
      %mul3A_340 = arith.muli %min3A_338, %mul3A_339 : i32
      %multiple_of3A_341 = tpu.assume_multiple %mul3A_340, 128 : i32
      %slice3A_342 = vector.extract_strided_slice %get3A_235 {offsets = [2], sizes = [1], strides = [1]} : vector<16xi32> to vector<1xi32>
      %squeeze3A_343 = vector.extract %slice3A_342[0] : i32 from vector<1xi32>
      %slice3A_344 = vector.extract_strided_slice %get3A_235 {offsets = [3], sizes = [1], strides = [1]} : vector<16xi32> to vector<1xi32>
      %squeeze3A_345 = vector.extract %slice3A_344[0] : i32 from vector<1xi32>
      %while3A_346 = arith.constant 0 : i32
      %while3A_347 = arith.subi %squeeze3A_345, %squeeze3A_343 : i32
      %while3A_348 = arith.addi %squeeze3A_343, %while3A_347 : i32
      %while3A_349 = arith.constant 1 : i32
      %while3A_350 = arith.divsi %while3A_347, %while3A_349 : i32
      %while3A_351 = arith.muli %while3A_350, %while3A_349 : i32
      %while3A_352 = arith.addi %squeeze3A_343, %while3A_351 : i32
      %while3A_353 = arith.constant 1 : i32
      scf.for %while3A_369 = %squeeze3A_343 to %while3A_352 step %while3A_353  : i32 {
        %get3A_370 = arith.index_cast %while3A_369 : i32 to index
        %get3A_371 = memref.load %arg7[%get3A_370] : memref<512xi32, #tpu.memory_space<smem>>
        %sub3A_372 = arith.subi %get3A_371, %multiple_of3A_341 : i32
        %broadcast_in_dim3A = vector.broadcast %sub3A_372 : i32 to vector<16xi32>
        %add3A_373 = arith.constant 0 : i32
        %add3A_374 = vector.broadcast %add3A_373 : i32 to vector<16xi32>
        %add3A_375 = arith.addi %iota3A, %add3A_374 : vector<16xi32>
        %gather3A = tpu.vector_load_idx %arg14[%add3A_375, %broadcast_in_dim3A] : memref<64x256xf32, #tpu.memory_space<vmem>>[vector<16xi32>, vector<16xi32>], vector<16xf32>,
        %swap3A = arith.index_cast %while3A_369 : i32 to index
        %swap3A_376 = arith.constant 0 : index
        %swap3A_377 = tpu.vector_load %arg11[%swap3A, %swap3A_376] {strides = array<i32>} : memref<512x128xf32, #tpu.memory_space<vmem>>, vector<16xf32>,
        tpu.vector_store %arg11[%swap3A, %swap3A_376], %gather3A {strides = array<i32>} : memref<512x128xf32, #tpu.memory_space<vmem>>, vector<16xf32>,
        %add3A_378 = arith.constant 16 : i32
        %add3A_379 = vector.broadcast %add3A_378 : i32 to vector<16xi32>
        %add3A_380 = arith.addi %iota3A, %add3A_379 : vector<16xi32>
        %gather3A_381 = tpu.vector_load_idx %arg14[%add3A_380, %broadcast_in_dim3A] : memref<64x256xf32, #tpu.memory_space<vmem>>[vector<16xi32>, vector<16xi32>], vector<16xf32>,
        %swap3A_382 = arith.index_cast %while3A_369 : i32 to index
        %swap3A_383 = arith.constant 16 : index
        %swap3A_384 = tpu.vector_load %arg11[%swap3A_382, %swap3A_383] {strides = array<i32>} : memref<512x128xf32, #tpu.memory_space<vmem>>, vector<16xf32>,
        tpu.vector_store %arg11[%swap3A_382, %swap3A_383], %gather3A_381 {strides = array<i32>} : memref<512x128xf32, #tpu.memory_space<vmem>>, vector<16xf32>,
        %add3A_385 = arith.constant 32 : i32
        %add3A_386 = vector.broadcast %add3A_385 : i32 to vector<16xi32>
        %add3A_387 = arith.addi %iota3A, %add3A_386 : vector<16xi32>
        %gather3A_388 = tpu.vector_load_idx %arg14[%add3A_387, %broadcast_in_dim3A] : memref<64x256xf32, #tpu.memory_space<vmem>>[vector<16xi32>, vector<16xi32>], vector<16xf32>,
        %swap3A_389 = arith.index_cast %while3A_369 : i32 to index
        %swap3A_390 = arith.constant 32 : index
        %swap3A_391 = tpu.vector_load %arg11[%swap3A_389, %swap3A_390] {strides = array<i32>} : memref<512x128xf32, #tpu.memory_space<vmem>>, vector<16xf32>,
        tpu.vector_store %arg11[%swap3A_389, %swap3A_390], %gather3A_388 {strides = array<i32>} : memref<512x128xf32, #tpu.memory_space<vmem>>, vector<16xf32>,
        %add3A_392 = arith.constant 48 : i32
        %add3A_393 = vector.broadcast %add3A_392 : i32 to vector<16xi32>
        %add3A_394 = arith.addi %iota3A, %add3A_393 : vector<16xi32>
        %gather3A_395 = tpu.vector_load_idx %arg14[%add3A_394, %broadcast_in_dim3A] : memref<64x256xf32, #tpu.memory_space<vmem>>[vector<16xi32>, vector<16xi32>], vector<16xf32>,
        %swap3A_396 = arith.index_cast %while3A_369 : i32 to index
        %swap3A_397 = arith.constant 48 : index
        %swap3A_398 = tpu.vector_load %arg11[%swap3A_396, %swap3A_397] {strides = array<i32>} : memref<512x128xf32, #tpu.memory_space<vmem>>, vector<16xf32>,
        tpu.vector_store %arg11[%swap3A_396, %swap3A_397], %gather3A_395 {strides = array<i32>} : memref<512x128xf32, #tpu.memory_space<vmem>>, vector<16xf32>,
      }
      %while3A_354 = arith.constant 1 : i32
      scf.for %while3A_369 = %while3A_352 to %while3A_348 step %while3A_354  : i32 {
        %get3A_370 = arith.index_cast %while3A_369 : i32 to index
        %get3A_371 = memref.load %arg7[%get3A_370] : memref<512xi32, #tpu.memory_space<smem>>
        %sub3A_372 = arith.subi %get3A_371, %multiple_of3A_341 : i32
        %broadcast_in_dim3A = vector.broadcast %sub3A_372 : i32 to vector<16xi32>
        %add3A_373 = arith.constant 0 : i32
        %add3A_374 = vector.broadcast %add3A_373 : i32 to vector<16xi32>
        %add3A_375 = arith.addi %iota3A, %add3A_374 : vector<16xi32>
        %gather3A = tpu.vector_load_idx %arg14[%add3A_375, %broadcast_in_dim3A] : memref<64x256xf32, #tpu.memory_space<vmem>>[vector<16xi32>, vector<16xi32>], vector<16xf32>,
        %swap3A = arith.index_cast %while3A_369 : i32 to index
        %swap3A_376 = arith.constant 0 : index
        %swap3A_377 = tpu.vector_load %arg11[%swap3A, %swap3A_376] {strides = array<i32>} : memref<512x128xf32, #tpu.memory_space<vmem>>, vector<16xf32>,
        tpu.vector_store %arg11[%swap3A, %swap3A_376], %gather3A {strides = array<i32>} : memref<512x128xf32, #tpu.memory_space<vmem>>, vector<16xf32>,
        %add3A_378 = arith.constant 16 : i32
        %add3A_379 = vector.broadcast %add3A_378 : i32 to vector<16xi32>
        %add3A_380 = arith.addi %iota3A, %add3A_379 : vector<16xi32>
        %gather3A_381 = tpu.vector_load_idx %arg14[%add3A_380, %broadcast_in_dim3A] : memref<64x256xf32, #tpu.memory_space<vmem>>[vector<16xi32>, vector<16xi32>], vector<16xf32>,
        %swap3A_382 = arith.index_cast %while3A_369 : i32 to index
        %swap3A_383 = arith.constant 16 : index
        %swap3A_384 = tpu.vector_load %arg11[%swap3A_382, %swap3A_383] {strides = array<i32>} : memref<512x128xf32, #tpu.memory_space<vmem>>, vector<16xf32>,
        tpu.vector_store %arg11[%swap3A_382, %swap3A_383], %gather3A_381 {strides = array<i32>} : memref<512x128xf32, #tpu.memory_space<vmem>>, vector<16xf32>,
        %add3A_385 = arith.constant 32 : i32
        %add3A_386 = vector.broadcast %add3A_385 : i32 to vector<16xi32>
        %add3A_387 = arith.addi %iota3A, %add3A_386 : vector<16xi32>
        %gather3A_388 = tpu.vector_load_idx %arg14[%add3A_387, %broadcast_in_dim3A] : memref<64x256xf32, #tpu.memory_space<vmem>>[vector<16xi32>, vector<16xi32>], vector<16xf32>,
        %swap3A_389 = arith.index_cast %while3A_369 : i32 to index
        %swap3A_390 = arith.constant 32 : index
        %swap3A_391 = tpu.vector_load %arg11[%swap3A_389, %swap3A_390] {strides = array<i32>} : memref<512x128xf32, #tpu.memory_space<vmem>>, vector<16xf32>,
        tpu.vector_store %arg11[%swap3A_389, %swap3A_390], %gather3A_388 {strides = array<i32>} : memref<512x128xf32, #tpu.memory_space<vmem>>, vector<16xf32>,
        %add3A_392 = arith.constant 48 : i32
        %add3A_393 = vector.broadcast %add3A_392 : i32 to vector<16xi32>
        %add3A_394 = arith.addi %iota3A, %add3A_393 : vector<16xi32>
        %gather3A_395 = tpu.vector_load_idx %arg14[%add3A_394, %broadcast_in_dim3A] : memref<64x256xf32, #tpu.memory_space<vmem>>[vector<16xi32>, vector<16xi32>], vector<16xf32>,
        %swap3A_396 = arith.index_cast %while3A_369 : i32 to index
        %swap3A_397 = arith.constant 48 : index
        %swap3A_398 = tpu.vector_load %arg11[%swap3A_396, %swap3A_397] {strides = array<i32>} : memref<512x128xf32, #tpu.memory_space<vmem>>, vector<16xf32>,
        tpu.vector_store %arg11[%swap3A_396, %swap3A_397], %gather3A_395 {strides = array<i32>} : memref<512x128xf32, #tpu.memory_space<vmem>>, vector<16xf32>,
      }
      %add3A_355 = arith.constant 3 : i32
      %add3A_356 = arith.addi %add3A_327, %add3A_355 : i32
      %mul3A_357 = arith.constant 2 : i32
      %mul3A_358 = arith.muli %add3A_356, %mul3A_357 : i32
      %add3A_359 = arith.addi %shift_right_arithmetic3A_40, %mul3A_358 : i32
      %min3A_360 = arith.constant 7811 : i32
      %min3A_361 = arith.minsi %add3A_359, %min3A_360 : i32
      %mul3A_362 = arith.constant 128 : i32
      %mul3A_363 = arith.muli %min3A_361, %mul3A_362 : i32
      %multiple_of3A_364 = tpu.assume_multiple %mul3A_363, 128 : i32
      %dma_start3A_365 = arith.constant 0 : i32
      %dma_start3A_366 = tpu.memref_slice %arg2[%dma_start3A_365, %multiple_of3A_364] : memref<64x1000000xf32, #tpu.memory_space<hbm>> -> memref<64x256xf32, #tpu.memory_space<hbm>>
      %dma_start3A_367 = arith.constant 0 : i32
      %dma_start3A_368 = tpu.memref_slice %arg2[%dma_start3A_367, %multiple_of3A_364] : memref<64x1000000xf32, #tpu.memory_space<hbm>> -> memref<64x256xf32, #tpu.memory_space<hbm>>
      tpu.enqueue_dma source(%dma_start3A_368 : memref<64x256xf32, #tpu.memory_space<hbm>>) target(%arg14 : memref<64x256xf32, #tpu.memory_space<vmem>>) target_semaphore(%arg17 : memref<!tpu.dma_semaphore, #tpu.memory_space<semaphore_mem>>)
    }
    %while3A_132 = arith.constant 1 : i32
    scf.for %while3A_231 = %while3A_130 to %while3A_126 step %while3A_132  : i32 {
      %mul3A_232 = arith.constant 3 : i32
      %mul3A_233 = arith.muli %while3A_231, %mul3A_232 : i32
      %get3A_234 = arith.index_cast %mul3A_233 : i32 to index
      %get3A_235 = tpu.vector_load %arg9[%get3A_234] {strides = array<i32>} : memref<3968xi32, #tpu.memory_space<vmem>>, vector<16xi32>,
      %mul3A_236 = arith.constant 3 : i32
      %mul3A_237 = arith.muli %while3A_231, %mul3A_236 : i32
      %add3A_238 = arith.constant 0 : i32
      %add3A_239 = arith.addi %mul3A_237, %add3A_238 : i32
      %dma_wait3A_240 = arith.constant 0 : i32
      %dma_wait3A_241 = arith.constant 0 : i32
      %dma_wait3A_242 = tpu.memref_slice %arg2[%dma_wait3A_240, %dma_wait3A_241] : memref<64x1000000xf32, #tpu.memory_space<hbm>> -> memref<64x256xf32, #tpu.memory_space<hbm>>
      %dma_wait3A_243 = arith.constant 0 : i32
      %dma_wait3A_244 = arith.constant 0 : i32
      %dma_wait3A_245 = tpu.memref_slice %arg2[%dma_wait3A_243, %dma_wait3A_244] : memref<64x1000000xf32, #tpu.memory_space<hbm>> -> memref<64x256xf32, #tpu.memory_space<hbm>>
      tpu.wait_dma2 semaphore(%arg15 : memref<!tpu.dma_semaphore, #tpu.memory_space<semaphore_mem>>) src(%dma_wait3A_245 : memref<64x256xf32, #tpu.memory_space<hbm>>) dst(%arg12 : memref<64x256xf32, #tpu.memory_space<vmem>>)
      %mul3A_246 = arith.constant 2 : i32
      %mul3A_247 = arith.muli %add3A_239, %mul3A_246 : i32
      %add3A_248 = arith.addi %shift_right_arithmetic3A_40, %mul3A_247 : i32
      %min3A_249 = arith.constant 7811 : i32
      %min3A_250 = arith.minsi %add3A_248, %min3A_249 : i32
      %mul3A_251 = arith.constant 128 : i32
      %mul3A_252 = arith.muli %min3A_250, %mul3A_251 : i32
      %multiple_of3A_253 = tpu.assume_multiple %mul3A_252, 128 : i32
      %slice3A = vector.extract_strided_slice %get3A_235 {offsets = [0], sizes = [1], strides = [1]} : vector<16xi32> to vector<1xi32>
      %squeeze3A = vector.extract %slice3A[0] : i32 from vector<1xi32>
      %slice3A_254 = vector.extract_strided_slice %get3A_235 {offsets = [1], sizes = [1], strides = [1]} : vector<16xi32> to vector<1xi32>
      %squeeze3A_255 = vector.extract %slice3A_254[0] : i32 from vector<1xi32>
      %while3A_256 = arith.constant 0 : i32
      %while3A_257 = arith.subi %squeeze3A_255, %squeeze3A : i32
      %while3A_258 = arith.addi %squeeze3A, %while3A_257 : i32
      %while3A_259 = arith.constant 1 : i32
      %while3A_260 = arith.divsi %while3A_257, %while3A_259 : i32
      %while3A_261 = arith.muli %while3A_260, %while3A_259 : i32
      %while3A_262 = arith.addi %squeeze3A, %while3A_261 : i32
      %while3A_263 = arith.constant 1 : i32
      scf.for %while3A_369 = %squeeze3A to %while3A_262 step %while3A_263  : i32 {
        %get3A_370 = arith.index_cast %while3A_369 : i32 to index
        %get3A_371 = memref.load %arg7[%get3A_370] : memref<512xi32, #tpu.memory_space<smem>>
        %sub3A_372 = arith.subi %get3A_371, %multiple_of3A_253 : i32
        %broadcast_in_dim3A = vector.broadcast %sub3A_372 : i32 to vector<16xi32>
        %add3A_373 = arith.constant 0 : i32
        %add3A_374 = vector.broadcast %add3A_373 : i32 to vector<16xi32>
        %add3A_375 = arith.addi %iota3A, %add3A_374 : vector<16xi32>
        %gather3A = tpu.vector_load_idx %arg12[%add3A_375, %broadcast_in_dim3A] : memref<64x256xf32, #tpu.memory_space<vmem>>[vector<16xi32>, vector<16xi32>], vector<16xf32>,
        %swap3A = arith.index_cast %while3A_369 : i32 to index
        %swap3A_376 = arith.constant 0 : index
        %swap3A_377 = tpu.vector_load %arg11[%swap3A, %swap3A_376] {strides = array<i32>} : memref<512x128xf32, #tpu.memory_space<vmem>>, vector<16xf32>,
        tpu.vector_store %arg11[%swap3A, %swap3A_376], %gather3A {strides = array<i32>} : memref<512x128xf32, #tpu.memory_space<vmem>>, vector<16xf32>,
        %add3A_378 = arith.constant 16 : i32
        %add3A_379 = vector.broadcast %add3A_378 : i32 to vector<16xi32>
        %add3A_380 = arith.addi %iota3A, %add3A_379 : vector<16xi32>
        %gather3A_381 = tpu.vector_load_idx %arg12[%add3A_380, %broadcast_in_dim3A] : memref<64x256xf32, #tpu.memory_space<vmem>>[vector<16xi32>, vector<16xi32>], vector<16xf32>,
        %swap3A_382 = arith.index_cast %while3A_369 : i32 to index
        %swap3A_383 = arith.constant 16 : index
        %swap3A_384 = tpu.vector_load %arg11[%swap3A_382, %swap3A_383] {strides = array<i32>} : memref<512x128xf32, #tpu.memory_space<vmem>>, vector<16xf32>,
        tpu.vector_store %arg11[%swap3A_382, %swap3A_383], %gather3A_381 {strides = array<i32>} : memref<512x128xf32, #tpu.memory_space<vmem>>, vector<16xf32>,
        %add3A_385 = arith.constant 32 : i32
        %add3A_386 = vector.broadcast %add3A_385 : i32 to vector<16xi32>
        %add3A_387 = arith.addi %iota3A, %add3A_386 : vector<16xi32>
        %gather3A_388 = tpu.vector_load_idx %arg12[%add3A_387, %broadcast_in_dim3A] : memref<64x256xf32, #tpu.memory_space<vmem>>[vector<16xi32>, vector<16xi32>], vector<16xf32>,
        %swap3A_389 = arith.index_cast %while3A_369 : i32 to index
        %swap3A_390 = arith.constant 32 : index
        %swap3A_391 = tpu.vector_load %arg11[%swap3A_389, %swap3A_390] {strides = array<i32>} : memref<512x128xf32, #tpu.memory_space<vmem>>, vector<16xf32>,
        tpu.vector_store %arg11[%swap3A_389, %swap3A_390], %gather3A_388 {strides = array<i32>} : memref<512x128xf32, #tpu.memory_space<vmem>>, vector<16xf32>,
        %add3A_392 = arith.constant 48 : i32
        %add3A_393 = vector.broadcast %add3A_392 : i32 to vector<16xi32>
        %add3A_394 = arith.addi %iota3A, %add3A_393 : vector<16xi32>
        %gather3A_395 = tpu.vector_load_idx %arg12[%add3A_394, %broadcast_in_dim3A] : memref<64x256xf32, #tpu.memory_space<vmem>>[vector<16xi32>, vector<16xi32>], vector<16xf32>,
        %swap3A_396 = arith.index_cast %while3A_369 : i32 to index
        %swap3A_397 = arith.constant 48 : index
        %swap3A_398 = tpu.vector_load %arg11[%swap3A_396, %swap3A_397] {strides = array<i32>} : memref<512x128xf32, #tpu.memory_space<vmem>>, vector<16xf32>,
        tpu.vector_store %arg11[%swap3A_396, %swap3A_397], %gather3A_395 {strides = array<i32>} : memref<512x128xf32, #tpu.memory_space<vmem>>, vector<16xf32>,
      }
      %while3A_264 = arith.constant 1 : i32
      scf.for %while3A_369 = %while3A_262 to %while3A_258 step %while3A_264  : i32 {
        %get3A_370 = arith.index_cast %while3A_369 : i32 to index
        %get3A_371 = memref.load %arg7[%get3A_370] : memref<512xi32, #tpu.memory_space<smem>>
        %sub3A_372 = arith.subi %get3A_371, %multiple_of3A_253 : i32
        %broadcast_in_dim3A = vector.broadcast %sub3A_372 : i32 to vector<16xi32>
        %add3A_373 = arith.constant 0 : i32
        %add3A_374 = vector.broadcast %add3A_373 : i32 to vector<16xi32>
        %add3A_375 = arith.addi %iota3A, %add3A_374 : vector<16xi32>
        %gather3A = tpu.vector_load_idx %arg12[%add3A_375, %broadcast_in_dim3A] : memref<64x256xf32, #tpu.memory_space<vmem>>[vector<16xi32>, vector<16xi32>], vector<16xf32>,
        %swap3A = arith.index_cast %while3A_369 : i32 to index
        %swap3A_376 = arith.constant 0 : index
        %swap3A_377 = tpu.vector_load %arg11[%swap3A, %swap3A_376] {strides = array<i32>} : memref<512x128xf32, #tpu.memory_space<vmem>>, vector<16xf32>,
        tpu.vector_store %arg11[%swap3A, %swap3A_376], %gather3A {strides = array<i32>} : memref<512x128xf32, #tpu.memory_space<vmem>>, vector<16xf32>,
        %add3A_378 = arith.constant 16 : i32
        %add3A_379 = vector.broadcast %add3A_378 : i32 to vector<16xi32>
        %add3A_380 = arith.addi %iota3A, %add3A_379 : vector<16xi32>
        %gather3A_381 = tpu.vector_load_idx %arg12[%add3A_380, %broadcast_in_dim3A] : memref<64x256xf32, #tpu.memory_space<vmem>>[vector<16xi32>, vector<16xi32>], vector<16xf32>,
        %swap3A_382 = arith.index_cast %while3A_369 : i32 to index
        %swap3A_383 = arith.constant 16 : index
        %swap3A_384 = tpu.vector_load %arg11[%swap3A_382, %swap3A_383] {strides = array<i32>} : memref<512x128xf32, #tpu.memory_space<vmem>>, vector<16xf32>,
        tpu.vector_store %arg11[%swap3A_382, %swap3A_383], %gather3A_381 {strides = array<i32>} : memref<512x128xf32, #tpu.memory_space<vmem>>, vector<16xf32>,
        %add3A_385 = arith.constant 32 : i32
        %add3A_386 = vector.broadcast %add3A_385 : i32 to vector<16xi32>
        %add3A_387 = arith.addi %iota3A, %add3A_386 : vector<16xi32>
        %gather3A_388 = tpu.vector_load_idx %arg12[%add3A_387, %broadcast_in_dim3A] : memref<64x256xf32, #tpu.memory_space<vmem>>[vector<16xi32>, vector<16xi32>], vector<16xf32>,
        %swap3A_389 = arith.index_cast %while3A_369 : i32 to index
        %swap3A_390 = arith.constant 32 : index
        %swap3A_391 = tpu.vector_load %arg11[%swap3A_389, %swap3A_390] {strides = array<i32>} : memref<512x128xf32, #tpu.memory_space<vmem>>, vector<16xf32>,
        tpu.vector_store %arg11[%swap3A_389, %swap3A_390], %gather3A_388 {strides = array<i32>} : memref<512x128xf32, #tpu.memory_space<vmem>>, vector<16xf32>,
        %add3A_392 = arith.constant 48 : i32
        %add3A_393 = vector.broadcast %add3A_392 : i32 to vector<16xi32>
        %add3A_394 = arith.addi %iota3A, %add3A_393 : vector<16xi32>
        %gather3A_395 = tpu.vector_load_idx %arg12[%add3A_394, %broadcast_in_dim3A] : memref<64x256xf32, #tpu.memory_space<vmem>>[vector<16xi32>, vector<16xi32>], vector<16xf32>,
        %swap3A_396 = arith.index_cast %while3A_369 : i32 to index
        %swap3A_397 = arith.constant 48 : index
        %swap3A_398 = tpu.vector_load %arg11[%swap3A_396, %swap3A_397] {strides = array<i32>} : memref<512x128xf32, #tpu.memory_space<vmem>>, vector<16xf32>,
        tpu.vector_store %arg11[%swap3A_396, %swap3A_397], %gather3A_395 {strides = array<i32>} : memref<512x128xf32, #tpu.memory_space<vmem>>, vector<16xf32>,
      }
      %add3A_265 = arith.constant 3 : i32
      %add3A_266 = arith.addi %add3A_239, %add3A_265 : i32
      %mul3A_267 = arith.constant 2 : i32
      %mul3A_268 = arith.muli %add3A_266, %mul3A_267 : i32
      %add3A_269 = arith.addi %shift_right_arithmetic3A_40, %mul3A_268 : i32
      %min3A_270 = arith.constant 7811 : i32
      %min3A_271 = arith.minsi %add3A_269, %min3A_270 : i32
      %mul3A_272 = arith.constant 128 : i32
      %mul3A_273 = arith.muli %min3A_271, %mul3A_272 : i32
      %multiple_of3A_274 = tpu.assume_multiple %mul3A_273, 128 : i32
      %dma_start3A_275 = arith.constant 0 : i32
      %dma_start3A_276 = tpu.memref_slice %arg2[%dma_start3A_275, %multiple_of3A_274] : memref<64x1000000xf32, #tpu.memory_space<hbm>> -> memref<64x256xf32, #tpu.memory_space<hbm>>
      %dma_start3A_277 = arith.constant 0 : i32
      %dma_start3A_278 = tpu.memref_slice %arg2[%dma_start3A_277, %multiple_of3A_274] : memref<64x1000000xf32, #tpu.memory_space<hbm>> -> memref<64x256xf32, #tpu.memory_space<hbm>>
      tpu.enqueue_dma source(%dma_start3A_278 : memref<64x256xf32, #tpu.memory_space<hbm>>) target(%arg12 : memref<64x256xf32, #tpu.memory_space<vmem>>) target_semaphore(%arg15 : memref<!tpu.dma_semaphore, #tpu.memory_space<semaphore_mem>>)
      %mul3A_279 = arith.constant 3 : i32
      %mul3A_280 = arith.muli %while3A_231, %mul3A_279 : i32
      %add3A_281 = arith.constant 1 : i32
      %add3A_282 = arith.addi %mul3A_280, %add3A_281 : i32
      %dma_wait3A_283 = arith.constant 0 : i32
      %dma_wait3A_284 = arith.constant 0 : i32
      %dma_wait3A_285 = tpu.memref_slice %arg2[%dma_wait3A_283, %dma_wait3A_284] : memref<64x1000000xf32, #tpu.memory_space<hbm>> -> memref<64x256xf32, #tpu.memory_space<hbm>>
      %dma_wait3A_286 = arith.constant 0 : i32
      %dma_wait3A_287 = arith.constant 0 : i32
      %dma_wait3A_288 = tpu.memref_slice %arg2[%dma_wait3A_286, %dma_wait3A_287] : memref<64x1000000xf32, #tpu.memory_space<hbm>> -> memref<64x256xf32, #tpu.memory_space<hbm>>
      tpu.wait_dma2 semaphore(%arg16 : memref<!tpu.dma_semaphore, #tpu.memory_space<semaphore_mem>>) src(%dma_wait3A_288 : memref<64x256xf32, #tpu.memory_space<hbm>>) dst(%arg13 : memref<64x256xf32, #tpu.memory_space<vmem>>)
      %mul3A_289 = arith.constant 2 : i32
      %mul3A_290 = arith.muli %add3A_282, %mul3A_289 : i32
      %add3A_291 = arith.addi %shift_right_arithmetic3A_40, %mul3A_290 : i32
      %min3A_292 = arith.constant 7811 : i32
      %min3A_293 = arith.minsi %add3A_291, %min3A_292 : i32
      %mul3A_294 = arith.constant 128 : i32
      %mul3A_295 = arith.muli %min3A_293, %mul3A_294 : i32
      %multiple_of3A_296 = tpu.assume_multiple %mul3A_295, 128 : i32
      %slice3A_297 = vector.extract_strided_slice %get3A_235 {offsets = [1], sizes = [1], strides = [1]} : vector<16xi32> to vector<1xi32>
      %squeeze3A_298 = vector.extract %slice3A_297[0] : i32 from vector<1xi32>
      %slice3A_299 = vector.extract_strided_slice %get3A_235 {offsets = [2], sizes = [1], strides = [1]} : vector<16xi32> to vector<1xi32>
      %squeeze3A_300 = vector.extract %slice3A_299[0] : i32 from vector<1xi32>
      %while3A_301 = arith.constant 0 : i32
      %while3A_302 = arith.subi %squeeze3A_300, %squeeze3A_298 : i32
      %while3A_303 = arith.addi %squeeze3A_298, %while3A_302 : i32
      %while3A_304 = arith.constant 1 : i32
      %while3A_305 = arith.divsi %while3A_302, %while3A_304 : i32
      %while3A_306 = arith.muli %while3A_305, %while3A_304 : i32
      %while3A_307 = arith.addi %squeeze3A_298, %while3A_306 : i32
      %while3A_308 = arith.constant 1 : i32
      scf.for %while3A_369 = %squeeze3A_298 to %while3A_307 step %while3A_308  : i32 {
        %get3A_370 = arith.index_cast %while3A_369 : i32 to index
        %get3A_371 = memref.load %arg7[%get3A_370] : memref<512xi32, #tpu.memory_space<smem>>
        %sub3A_372 = arith.subi %get3A_371, %multiple_of3A_296 : i32
        %broadcast_in_dim3A = vector.broadcast %sub3A_372 : i32 to vector<16xi32>
        %add3A_373 = arith.constant 0 : i32
        %add3A_374 = vector.broadcast %add3A_373 : i32 to vector<16xi32>
        %add3A_375 = arith.addi %iota3A, %add3A_374 : vector<16xi32>
        %gather3A = tpu.vector_load_idx %arg13[%add3A_375, %broadcast_in_dim3A] : memref<64x256xf32, #tpu.memory_space<vmem>>[vector<16xi32>, vector<16xi32>], vector<16xf32>,
        %swap3A = arith.index_cast %while3A_369 : i32 to index
        %swap3A_376 = arith.constant 0 : index
        %swap3A_377 = tpu.vector_load %arg11[%swap3A, %swap3A_376] {strides = array<i32>} : memref<512x128xf32, #tpu.memory_space<vmem>>, vector<16xf32>,
        tpu.vector_store %arg11[%swap3A, %swap3A_376], %gather3A {strides = array<i32>} : memref<512x128xf32, #tpu.memory_space<vmem>>, vector<16xf32>,
        %add3A_378 = arith.constant 16 : i32
        %add3A_379 = vector.broadcast %add3A_378 : i32 to vector<16xi32>
        %add3A_380 = arith.addi %iota3A, %add3A_379 : vector<16xi32>
        %gather3A_381 = tpu.vector_load_idx %arg13[%add3A_380, %broadcast_in_dim3A] : memref<64x256xf32, #tpu.memory_space<vmem>>[vector<16xi32>, vector<16xi32>], vector<16xf32>,
        %swap3A_382 = arith.index_cast %while3A_369 : i32 to index
        %swap3A_383 = arith.constant 16 : index
        %swap3A_384 = tpu.vector_load %arg11[%swap3A_382, %swap3A_383] {strides = array<i32>} : memref<512x128xf32, #tpu.memory_space<vmem>>, vector<16xf32>,
        tpu.vector_store %arg11[%swap3A_382, %swap3A_383], %gather3A_381 {strides = array<i32>} : memref<512x128xf32, #tpu.memory_space<vmem>>, vector<16xf32>,
        %add3A_385 = arith.constant 32 : i32
        %add3A_386 = vector.broadcast %add3A_385 : i32 to vector<16xi32>
        %add3A_387 = arith.addi %iota3A, %add3A_386 : vector<16xi32>
        %gather3A_388 = tpu.vector_load_idx %arg13[%add3A_387, %broadcast_in_dim3A] : memref<64x256xf32, #tpu.memory_space<vmem>>[vector<16xi32>, vector<16xi32>], vector<16xf32>,
        %swap3A_389 = arith.index_cast %while3A_369 : i32 to index
        %swap3A_390 = arith.constant 32 : index
        %swap3A_391 = tpu.vector_load %arg11[%swap3A_389, %swap3A_390] {strides = array<i32>} : memref<512x128xf32, #tpu.memory_space<vmem>>, vector<16xf32>,
        tpu.vector_store %arg11[%swap3A_389, %swap3A_390], %gather3A_388 {strides = array<i32>} : memref<512x128xf32, #tpu.memory_space<vmem>>, vector<16xf32>,
        %add3A_392 = arith.constant 48 : i32
        %add3A_393 = vector.broadcast %add3A_392 : i32 to vector<16xi32>
        %add3A_394 = arith.addi %iota3A, %add3A_393 : vector<16xi32>
        %gather3A_395 = tpu.vector_load_idx %arg13[%add3A_394, %broadcast_in_dim3A] : memref<64x256xf32, #tpu.memory_space<vmem>>[vector<16xi32>, vector<16xi32>], vector<16xf32>,
        %swap3A_396 = arith.index_cast %while3A_369 : i32 to index
        %swap3A_397 = arith.constant 48 : index
        %swap3A_398 = tpu.vector_load %arg11[%swap3A_396, %swap3A_397] {strides = array<i32>} : memref<512x128xf32, #tpu.memory_space<vmem>>, vector<16xf32>,
        tpu.vector_store %arg11[%swap3A_396, %swap3A_397], %gather3A_395 {strides = array<i32>} : memref<512x128xf32, #tpu.memory_space<vmem>>, vector<16xf32>,
      }
      %while3A_309 = arith.constant 1 : i32
      scf.for %while3A_369 = %while3A_307 to %while3A_303 step %while3A_309  : i32 {
        %get3A_370 = arith.index_cast %while3A_369 : i32 to index
        %get3A_371 = memref.load %arg7[%get3A_370] : memref<512xi32, #tpu.memory_space<smem>>
        %sub3A_372 = arith.subi %get3A_371, %multiple_of3A_296 : i32
        %broadcast_in_dim3A = vector.broadcast %sub3A_372 : i32 to vector<16xi32>
        %add3A_373 = arith.constant 0 : i32
        %add3A_374 = vector.broadcast %add3A_373 : i32 to vector<16xi32>
        %add3A_375 = arith.addi %iota3A, %add3A_374 : vector<16xi32>
        %gather3A = tpu.vector_load_idx %arg13[%add3A_375, %broadcast_in_dim3A] : memref<64x256xf32, #tpu.memory_space<vmem>>[vector<16xi32>, vector<16xi32>], vector<16xf32>,
        %swap3A = arith.index_cast %while3A_369 : i32 to index
        %swap3A_376 = arith.constant 0 : index
        %swap3A_377 = tpu.vector_load %arg11[%swap3A, %swap3A_376] {strides = array<i32>} : memref<512x128xf32, #tpu.memory_space<vmem>>, vector<16xf32>,
        tpu.vector_store %arg11[%swap3A, %swap3A_376], %gather3A {strides = array<i32>} : memref<512x128xf32, #tpu.memory_space<vmem>>, vector<16xf32>,
        %add3A_378 = arith.constant 16 : i32
        %add3A_379 = vector.broadcast %add3A_378 : i32 to vector<16xi32>
        %add3A_380 = arith.addi %iota3A, %add3A_379 : vector<16xi32>
        %gather3A_381 = tpu.vector_load_idx %arg13[%add3A_380, %broadcast_in_dim3A] : memref<64x256xf32, #tpu.memory_space<vmem>>[vector<16xi32>, vector<16xi32>], vector<16xf32>,
        %swap3A_382 = arith.index_cast %while3A_369 : i32 to index
        %swap3A_383 = arith.constant 16 : index
        %swap3A_384 = tpu.vector_load %arg11[%swap3A_382, %swap3A_383] {strides = array<i32>} : memref<512x128xf32, #tpu.memory_space<vmem>>, vector<16xf32>,
        tpu.vector_store %arg11[%swap3A_382, %swap3A_383], %gather3A_381 {strides = array<i32>} : memref<512x128xf32, #tpu.memory_space<vmem>>, vector<16xf32>,
        %add3A_385 = arith.constant 32 : i32
        %add3A_386 = vector.broadcast %add3A_385 : i32 to vector<16xi32>
        %add3A_387 = arith.addi %iota3A, %add3A_386 : vector<16xi32>
        %gather3A_388 = tpu.vector_load_idx %arg13[%add3A_387, %broadcast_in_dim3A] : memref<64x256xf32, #tpu.memory_space<vmem>>[vector<16xi32>, vector<16xi32>], vector<16xf32>,
        %swap3A_389 = arith.index_cast %while3A_369 : i32 to index
        %swap3A_390 = arith.constant 32 : index
        %swap3A_391 = tpu.vector_load %arg11[%swap3A_389, %swap3A_390] {strides = array<i32>} : memref<512x128xf32, #tpu.memory_space<vmem>>, vector<16xf32>,
        tpu.vector_store %arg11[%swap3A_389, %swap3A_390], %gather3A_388 {strides = array<i32>} : memref<512x128xf32, #tpu.memory_space<vmem>>, vector<16xf32>,
        %add3A_392 = arith.constant 48 : i32
        %add3A_393 = vector.broadcast %add3A_392 : i32 to vector<16xi32>
        %add3A_394 = arith.addi %iota3A, %add3A_393 : vector<16xi32>
        %gather3A_395 = tpu.vector_load_idx %arg13[%add3A_394, %broadcast_in_dim3A] : memref<64x256xf32, #tpu.memory_space<vmem>>[vector<16xi32>, vector<16xi32>], vector<16xf32>,
        %swap3A_396 = arith.index_cast %while3A_369 : i32 to index
        %swap3A_397 = arith.constant 48 : index
        %swap3A_398 = tpu.vector_load %arg11[%swap3A_396, %swap3A_397] {strides = array<i32>} : memref<512x128xf32, #tpu.memory_space<vmem>>, vector<16xf32>,
        tpu.vector_store %arg11[%swap3A_396, %swap3A_397], %gather3A_395 {strides = array<i32>} : memref<512x128xf32, #tpu.memory_space<vmem>>, vector<16xf32>,
      }
      %add3A_310 = arith.constant 3 : i32
      %add3A_311 = arith.addi %add3A_282, %add3A_310 : i32
      %mul3A_312 = arith.constant 2 : i32
      %mul3A_313 = arith.muli %add3A_311, %mul3A_312 : i32
      %add3A_314 = arith.addi %shift_right_arithmetic3A_40, %mul3A_313 : i32
      %min3A_315 = arith.constant 7811 : i32
      %min3A_316 = arith.minsi %add3A_314, %min3A_315 : i32
      %mul3A_317 = arith.constant 128 : i32
      %mul3A_318 = arith.muli %min3A_316, %mul3A_317 : i32
      %multiple_of3A_319 = tpu.assume_multiple %mul3A_318, 128 : i32
      %dma_start3A_320 = arith.constant 0 : i32
      %dma_start3A_321 = tpu.memref_slice %arg2[%dma_start3A_320, %multiple_of3A_319] : memref<64x1000000xf32, #tpu.memory_space<hbm>> -> memref<64x256xf32, #tpu.memory_space<hbm>>
      %dma_start3A_322 = arith.constant 0 : i32
      %dma_start3A_323 = tpu.memref_slice %arg2[%dma_start3A_322, %multiple_of3A_319] : memref<64x1000000xf32, #tpu.memory_space<hbm>> -> memref<64x256xf32, #tpu.memory_space<hbm>>
      tpu.enqueue_dma source(%dma_start3A_323 : memref<64x256xf32, #tpu.memory_space<hbm>>) target(%arg13 : memref<64x256xf32, #tpu.memory_space<vmem>>) target_semaphore(%arg16 : memref<!tpu.dma_semaphore, #tpu.memory_space<semaphore_mem>>)
      %mul3A_324 = arith.constant 3 : i32
      %mul3A_325 = arith.muli %while3A_231, %mul3A_324 : i32
      %add3A_326 = arith.constant 2 : i32
      %add3A_327 = arith.addi %mul3A_325, %add3A_326 : i32
      %dma_wait3A_328 = arith.constant 0 : i32
      %dma_wait3A_329 = arith.constant 0 : i32
      %dma_wait3A_330 = tpu.memref_slice %arg2[%dma_wait3A_328, %dma_wait3A_329] : memref<64x1000000xf32, #tpu.memory_space<hbm>> -> memref<64x256xf32, #tpu.memory_space<hbm>>
      %dma_wait3A_331 = arith.constant 0 : i32
      %dma_wait3A_332 = arith.constant 0 : i32
      %dma_wait3A_333 = tpu.memref_slice %arg2[%dma_wait3A_331, %dma_wait3A_332] : memref<64x1000000xf32, #tpu.memory_space<hbm>> -> memref<64x256xf32, #tpu.memory_space<hbm>>
      tpu.wait_dma2 semaphore(%arg17 : memref<!tpu.dma_semaphore, #tpu.memory_space<semaphore_mem>>) src(%dma_wait3A_333 : memref<64x256xf32, #tpu.memory_space<hbm>>) dst(%arg14 : memref<64x256xf32, #tpu.memory_space<vmem>>)
      %mul3A_334 = arith.constant 2 : i32
      %mul3A_335 = arith.muli %add3A_327, %mul3A_334 : i32
      %add3A_336 = arith.addi %shift_right_arithmetic3A_40, %mul3A_335 : i32
      %min3A_337 = arith.constant 7811 : i32
      %min3A_338 = arith.minsi %add3A_336, %min3A_337 : i32
      %mul3A_339 = arith.constant 128 : i32
      %mul3A_340 = arith.muli %min3A_338, %mul3A_339 : i32
      %multiple_of3A_341 = tpu.assume_multiple %mul3A_340, 128 : i32
      %slice3A_342 = vector.extract_strided_slice %get3A_235 {offsets = [2], sizes = [1], strides = [1]} : vector<16xi32> to vector<1xi32>
      %squeeze3A_343 = vector.extract %slice3A_342[0] : i32 from vector<1xi32>
      %slice3A_344 = vector.extract_strided_slice %get3A_235 {offsets = [3], sizes = [1], strides = [1]} : vector<16xi32> to vector<1xi32>
      %squeeze3A_345 = vector.extract %slice3A_344[0] : i32 from vector<1xi32>
      %while3A_346 = arith.constant 0 : i32
      %while3A_347 = arith.subi %squeeze3A_345, %squeeze3A_343 : i32
      %while3A_348 = arith.addi %squeeze3A_343, %while3A_347 : i32
      %while3A_349 = arith.constant 1 : i32
      %while3A_350 = arith.divsi %while3A_347, %while3A_349 : i32
      %while3A_351 = arith.muli %while3A_350, %while3A_349 : i32
      %while3A_352 = arith.addi %squeeze3A_343, %while3A_351 : i32
      %while3A_353 = arith.constant 1 : i32
      scf.for %while3A_369 = %squeeze3A_343 to %while3A_352 step %while3A_353  : i32 {
        %get3A_370 = arith.index_cast %while3A_369 : i32 to index
        %get3A_371 = memref.load %arg7[%get3A_370] : memref<512xi32, #tpu.memory_space<smem>>
        %sub3A_372 = arith.subi %get3A_371, %multiple_of3A_341 : i32
        %broadcast_in_dim3A = vector.broadcast %sub3A_372 : i32 to vector<16xi32>
        %add3A_373 = arith.constant 0 : i32
        %add3A_374 = vector.broadcast %add3A_373 : i32 to vector<16xi32>
        %add3A_375 = arith.addi %iota3A, %add3A_374 : vector<16xi32>
        %gather3A = tpu.vector_load_idx %arg14[%add3A_375, %broadcast_in_dim3A] : memref<64x256xf32, #tpu.memory_space<vmem>>[vector<16xi32>, vector<16xi32>], vector<16xf32>,
        %swap3A = arith.index_cast %while3A_369 : i32 to index
        %swap3A_376 = arith.constant 0 : index
        %swap3A_377 = tpu.vector_load %arg11[%swap3A, %swap3A_376] {strides = array<i32>} : memref<512x128xf32, #tpu.memory_space<vmem>>, vector<16xf32>,
        tpu.vector_store %arg11[%swap3A, %swap3A_376], %gather3A {strides = array<i32>} : memref<512x128xf32, #tpu.memory_space<vmem>>, vector<16xf32>,
        %add3A_378 = arith.constant 16 : i32
        %add3A_379 = vector.broadcast %add3A_378 : i32 to vector<16xi32>
        %add3A_380 = arith.addi %iota3A, %add3A_379 : vector<16xi32>
        %gather3A_381 = tpu.vector_load_idx %arg14[%add3A_380, %broadcast_in_dim3A] : memref<64x256xf32, #tpu.memory_space<vmem>>[vector<16xi32>, vector<16xi32>], vector<16xf32>,
        %swap3A_382 = arith.index_cast %while3A_369 : i32 to index
        %swap3A_383 = arith.constant 16 : index
        %swap3A_384 = tpu.vector_load %arg11[%swap3A_382, %swap3A_383] {strides = array<i32>} : memref<512x128xf32, #tpu.memory_space<vmem>>, vector<16xf32>,
        tpu.vector_store %arg11[%swap3A_382, %swap3A_383], %gather3A_381 {strides = array<i32>} : memref<512x128xf32, #tpu.memory_space<vmem>>, vector<16xf32>,
        %add3A_385 = arith.constant 32 : i32
        %add3A_386 = vector.broadcast %add3A_385 : i32 to vector<16xi32>
        %add3A_387 = arith.addi %iota3A, %add3A_386 : vector<16xi32>
        %gather3A_388 = tpu.vector_load_idx %arg14[%add3A_387, %broadcast_in_dim3A] : memref<64x256xf32, #tpu.memory_space<vmem>>[vector<16xi32>, vector<16xi32>], vector<16xf32>,
        %swap3A_389 = arith.index_cast %while3A_369 : i32 to index
        %swap3A_390 = arith.constant 32 : index
        %swap3A_391 = tpu.vector_load %arg11[%swap3A_389, %swap3A_390] {strides = array<i32>} : memref<512x128xf32, #tpu.memory_space<vmem>>, vector<16xf32>,
        tpu.vector_store %arg11[%swap3A_389, %swap3A_390], %gather3A_388 {strides = array<i32>} : memref<512x128xf32, #tpu.memory_space<vmem>>, vector<16xf32>,
        %add3A_392 = arith.constant 48 : i32
        %add3A_393 = vector.broadcast %add3A_392 : i32 to vector<16xi32>
        %add3A_394 = arith.addi %iota3A, %add3A_393 : vector<16xi32>
        %gather3A_395 = tpu.vector_load_idx %arg14[%add3A_394, %broadcast_in_dim3A] : memref<64x256xf32, #tpu.memory_space<vmem>>[vector<16xi32>, vector<16xi32>], vector<16xf32>,
        %swap3A_396 = arith.index_cast %while3A_369 : i32 to index
        %swap3A_397 = arith.constant 48 : index
        %swap3A_398 = tpu.vector_load %arg11[%swap3A_396, %swap3A_397] {strides = array<i32>} : memref<512x128xf32, #tpu.memory_space<vmem>>, vector<16xf32>,
        tpu.vector_store %arg11[%swap3A_396, %swap3A_397], %gather3A_395 {strides = array<i32>} : memref<512x128xf32, #tpu.memory_space<vmem>>, vector<16xf32>,
      }
      %while3A_354 = arith.constant 1 : i32
      scf.for %while3A_369 = %while3A_352 to %while3A_348 step %while3A_354  : i32 {
        %get3A_370 = arith.index_cast %while3A_369 : i32 to index
        %get3A_371 = memref.load %arg7[%get3A_370] : memref<512xi32, #tpu.memory_space<smem>>
        %sub3A_372 = arith.subi %get3A_371, %multiple_of3A_341 : i32
        %broadcast_in_dim3A = vector.broadcast %sub3A_372 : i32 to vector<16xi32>
        %add3A_373 = arith.constant 0 : i32
        %add3A_374 = vector.broadcast %add3A_373 : i32 to vector<16xi32>
        %add3A_375 = arith.addi %iota3A, %add3A_374 : vector<16xi32>
        %gather3A = tpu.vector_load_idx %arg14[%add3A_375, %broadcast_in_dim3A] : memref<64x256xf32, #tpu.memory_space<vmem>>[vector<16xi32>, vector<16xi32>], vector<16xf32>,
        %swap3A = arith.index_cast %while3A_369 : i32 to index
        %swap3A_376 = arith.constant 0 : index
        %swap3A_377 = tpu.vector_load %arg11[%swap3A, %swap3A_376] {strides = array<i32>} : memref<512x128xf32, #tpu.memory_space<vmem>>, vector<16xf32>,
        tpu.vector_store %arg11[%swap3A, %swap3A_376], %gather3A {strides = array<i32>} : memref<512x128xf32, #tpu.memory_space<vmem>>, vector<16xf32>,
        %add3A_378 = arith.constant 16 : i32
        %add3A_379 = vector.broadcast %add3A_378 : i32 to vector<16xi32>
        %add3A_380 = arith.addi %iota3A, %add3A_379 : vector<16xi32>
        %gather3A_381 = tpu.vector_load_idx %arg14[%add3A_380, %broadcast_in_dim3A] : memref<64x256xf32, #tpu.memory_space<vmem>>[vector<16xi32>, vector<16xi32>], vector<16xf32>,
        %swap3A_382 = arith.index_cast %while3A_369 : i32 to index
        %swap3A_383 = arith.constant 16 : index
        %swap3A_384 = tpu.vector_load %arg11[%swap3A_382, %swap3A_383] {strides = array<i32>} : memref<512x128xf32, #tpu.memory_space<vmem>>, vector<16xf32>,
        tpu.vector_store %arg11[%swap3A_382, %swap3A_383], %gather3A_381 {strides = array<i32>} : memref<512x128xf32, #tpu.memory_space<vmem>>, vector<16xf32>,
        %add3A_385 = arith.constant 32 : i32
        %add3A_386 = vector.broadcast %add3A_385 : i32 to vector<16xi32>
        %add3A_387 = arith.addi %iota3A, %add3A_386 : vector<16xi32>
        %gather3A_388 = tpu.vector_load_idx %arg14[%add3A_387, %broadcast_in_dim3A] : memref<64x256xf32, #tpu.memory_space<vmem>>[vector<16xi32>, vector<16xi32>], vector<16xf32>,
        %swap3A_389 = arith.index_cast %while3A_369 : i32 to index
        %swap3A_390 = arith.constant 32 : index
        %swap3A_391 = tpu.vector_load %arg11[%swap3A_389, %swap3A_390] {strides = array<i32>} : memref<512x128xf32, #tpu.memory_space<vmem>>, vector<16xf32>,
        tpu.vector_store %arg11[%swap3A_389, %swap3A_390], %gather3A_388 {strides = array<i32>} : memref<512x128xf32, #tpu.memory_space<vmem>>, vector<16xf32>,
        %add3A_392 = arith.constant 48 : i32
        %add3A_393 = vector.broadcast %add3A_392 : i32 to vector<16xi32>
        %add3A_394 = arith.addi %iota3A, %add3A_393 : vector<16xi32>
        %gather3A_395 = tpu.vector_load_idx %arg14[%add3A_394, %broadcast_in_dim3A] : memref<64x256xf32, #tpu.memory_space<vmem>>[vector<16xi32>, vector<16xi32>], vector<16xf32>,
        %swap3A_396 = arith.index_cast %while3A_369 : i32 to index
        %swap3A_397 = arith.constant 48 : index
        %swap3A_398 = tpu.vector_load %arg11[%swap3A_396, %swap3A_397] {strides = array<i32>} : memref<512x128xf32, #tpu.memory_space<vmem>>, vector<16xf32>,
        tpu.vector_store %arg11[%swap3A_396, %swap3A_397], %gather3A_395 {strides = array<i32>} : memref<512x128xf32, #tpu.memory_space<vmem>>, vector<16xf32>,
      }
      %add3A_355 = arith.constant 3 : i32
      %add3A_356 = arith.addi %add3A_327, %add3A_355 : i32
      %mul3A_357 = arith.constant 2 : i32
      %mul3A_358 = arith.muli %add3A_356, %mul3A_357 : i32
      %add3A_359 = arith.addi %shift_right_arithmetic3A_40, %mul3A_358 : i32
      %min3A_360 = arith.constant 7811 : i32
      %min3A_361 = arith.minsi %add3A_359, %min3A_360 : i32
      %mul3A_362 = arith.constant 128 : i32
      %mul3A_363 = arith.muli %min3A_361, %mul3A_362 : i32
      %multiple_of3A_364 = tpu.assume_multiple %mul3A_363, 128 : i32
      %dma_start3A_365 = arith.constant 0 : i32
      %dma_start3A_366 = tpu.memref_slice %arg2[%dma_start3A_365, %multiple_of3A_364] : memref<64x1000000xf32, #tpu.memory_space<hbm>> -> memref<64x256xf32, #tpu.memory_space<hbm>>
      %dma_start3A_367 = arith.constant 0 : i32
      %dma_start3A_368 = tpu.memref_slice %arg2[%dma_start3A_367, %multiple_of3A_364] : memref<64x1000000xf32, #tpu.memory_space<hbm>> -> memref<64x256xf32, #tpu.memory_space<hbm>>
      tpu.enqueue_dma source(%dma_start3A_368 : memref<64x256xf32, #tpu.memory_space<hbm>>) target(%arg14 : memref<64x256xf32, #tpu.memory_space<vmem>>) target_semaphore(%arg17 : memref<!tpu.dma_semaphore, #tpu.memory_space<semaphore_mem>>)
    }
    %dma_wait3A_133 = arith.constant 0 : i32
    %dma_wait3A_134 = arith.constant 0 : i32
    %dma_wait3A_135 = tpu.memref_slice %arg2[%dma_wait3A_133, %dma_wait3A_134] : memref<64x1000000xf32, #tpu.memory_space<hbm>> -> memref<64x256xf32, #tpu.memory_space<hbm>>
    %dma_wait3A_136 = arith.constant 0 : i32
    %dma_wait3A_137 = arith.constant 0 : i32
    %dma_wait3A_138 = tpu.memref_slice %arg2[%dma_wait3A_136, %dma_wait3A_137] : memref<64x1000000xf32, #tpu.memory_space<hbm>> -> memref<64x256xf32, #tpu.memory_space<hbm>>
    tpu.wait_dma2 semaphore(%arg15 : memref<!tpu.dma_semaphore, #tpu.memory_space<semaphore_mem>>) src(%dma_wait3A_138 : memref<64x256xf32, #tpu.memory_space<hbm>>) dst(%arg12 : memref<64x256xf32, #tpu.memory_space<vmem>>)
    %dma_wait3A_139 = arith.constant 0 : i32
    %dma_wait3A_140 = arith.constant 0 : i32
    %dma_wait3A_141 = tpu.memref_slice %arg2[%dma_wait3A_139, %dma_wait3A_140] : memref<64x1000000xf32, #tpu.memory_space<hbm>> -> memref<64x256xf32, #tpu.memory_space<hbm>>
    %dma_wait3A_142 = arith.constant 0 : i32
    %dma_wait3A_143 = arith.constant 0 : i32
    %dma_wait3A_144 = tpu.memref_slice %arg2[%dma_wait3A_142, %dma_wait3A_143] : memref<64x1000000xf32, #tpu.memory_space<hbm>> -> memref<64x256xf32, #tpu.memory_space<hbm>>
    tpu.wait_dma2 semaphore(%arg16 : memref<!tpu.dma_semaphore, #tpu.memory_space<semaphore_mem>>) src(%dma_wait3A_144 : memref<64x256xf32, #tpu.memory_space<hbm>>) dst(%arg13 : memref<64x256xf32, #tpu.memory_space<vmem>>)
    %dma_wait3A_145 = arith.constant 0 : i32
    %dma_wait3A_146 = arith.constant 0 : i32
    %dma_wait3A_147 = tpu.memref_slice %arg2[%dma_wait3A_145, %dma_wait3A_146] : memref<64x1000000xf32, #tpu.memory_space<hbm>> -> memref<64x256xf32, #tpu.memory_space<hbm>>
    %dma_wait3A_148 = arith.constant 0 : i32
    %dma_wait3A_149 = arith.constant 0 : i32
    %dma_wait3A_150 = tpu.memref_slice %arg2[%dma_wait3A_148, %dma_wait3A_149] : memref<64x1000000xf32, #tpu.memory_space<hbm>> -> memref<64x256xf32, #tpu.memory_space<hbm>>
    tpu.wait_dma2 semaphore(%arg17 : memref<!tpu.dma_semaphore, #tpu.memory_space<semaphore_mem>>) src(%dma_wait3A_150 : memref<64x256xf32, #tpu.memory_space<hbm>>) dst(%arg14 : memref<64x256xf32, #tpu.memory_space<vmem>>)
    %dma_start3A_151 = arith.constant 0 : i32
    %dma_start3A_152 = arith.constant 0 : i32
    %dma_start3A_153 = arith.constant 0 : i32
    %dma_start3A_154 = tpu.memref_slice %arg11[%dma_start3A_152, %dma_start3A_153] : memref<512x128xf32, #tpu.memory_space<vmem>> -> memref<128x128xf32, #tpu.memory_space<vmem>>
    %dma_start3A_155 = arith.constant 0 : i32
    %dma_start3A_156 = tpu.memref_slice %arg10[%dma_start3A_151, %dma_start3A_155] : memref<4x128xi32, #tpu.memory_space<vmem>> -> memref<1x128xi32, #tpu.memory_space<vmem>>
    %dma_start3A_157 = tpu.memref_squeeze %dma_start3A_156 : memref<1x128xi32, #tpu.memory_space<vmem>> -> memref<128xi32, #tpu.memory_space<vmem>>
    %dma_start3A_158 = arith.constant 0 : i32
    %dma_start3A_159 = arith.constant 0 : i32
    %dma_start3A_160 = tpu.memref_slice %arg6[%dma_start3A_158, %dma_start3A_159] : memref<16384x128xf32, #tpu.memory_space<hbm>> -> memref<16384x128xf32, #tpu.memory_space<hbm>>
    tpu.enqueue_indirect_dma source(%dma_start3A_154 : memref<128x128xf32, #tpu.memory_space<vmem>>) target(%dma_start3A_160 : memref<16384x128xf32, #tpu.memory_space<hbm>>) offsets(%dma_start3A_157 : memref<128xi32, #tpu.memory_space<vmem>>) semaphore(%arg19 : memref<!tpu.dma_semaphore, #tpu.memory_space<semaphore_mem>>)
    %dma_start3A_161 = arith.constant 1 : i32
    %dma_start3A_162 = arith.constant 128 : i32
    %dma_start3A_163 = arith.constant 0 : i32
    %dma_start3A_164 = tpu.memref_slice %arg11[%dma_start3A_162, %dma_start3A_163] : memref<512x128xf32, #tpu.memory_space<vmem>> -> memref<128x128xf32, #tpu.memory_space<vmem>>
    %dma_start3A_165 = arith.constant 0 : i32
    %dma_start3A_166 = tpu.memref_slice %arg10[%dma_start3A_161, %dma_start3A_165] : memref<4x128xi32, #tpu.memory_space<vmem>> -> memref<1x128xi32, #tpu.memory_space<vmem>>
    %dma_start3A_167 = tpu.memref_squeeze %dma_start3A_166 : memref<1x128xi32, #tpu.memory_space<vmem>> -> memref<128xi32, #tpu.memory_space<vmem>>
    %dma_start3A_168 = arith.constant 0 : i32
    %dma_start3A_169 = arith.constant 0 : i32
    %dma_start3A_170 = tpu.memref_slice %arg6[%dma_start3A_168, %dma_start3A_169] : memref<16384x128xf32, #tpu.memory_space<hbm>> -> memref<16384x128xf32, #tpu.memory_space<hbm>>
    tpu.enqueue_indirect_dma source(%dma_start3A_164 : memref<128x128xf32, #tpu.memory_space<vmem>>) target(%dma_start3A_170 : memref<16384x128xf32, #tpu.memory_space<hbm>>) offsets(%dma_start3A_167 : memref<128xi32, #tpu.memory_space<vmem>>) semaphore(%arg19 : memref<!tpu.dma_semaphore, #tpu.memory_space<semaphore_mem>>)
    %dma_start3A_171 = arith.constant 2 : i32
    %dma_start3A_172 = arith.constant 256 : i32
    %dma_start3A_173 = arith.constant 0 : i32
    %dma_start3A_174 = tpu.memref_slice %arg11[%dma_start3A_172, %dma_start3A_173] : memref<512x128xf32, #tpu.memory_space<vmem>> -> memref<128x128xf32, #tpu.memory_space<vmem>>
    %dma_start3A_175 = arith.constant 0 : i32
    %dma_start3A_176 = tpu.memref_slice %arg10[%dma_start3A_171, %dma_start3A_175] : memref<4x128xi32, #tpu.memory_space<vmem>> -> memref<1x128xi32, #tpu.memory_space<vmem>>
    %dma_start3A_177 = tpu.memref_squeeze %dma_start3A_176 : memref<1x128xi32, #tpu.memory_space<vmem>> -> memref<128xi32, #tpu.memory_space<vmem>>
    %dma_start3A_178 = arith.constant 0 : i32
    %dma_start3A_179 = arith.constant 0 : i32
    %dma_start3A_180 = tpu.memref_slice %arg6[%dma_start3A_178, %dma_start3A_179] : memref<16384x128xf32, #tpu.memory_space<hbm>> -> memref<16384x128xf32, #tpu.memory_space<hbm>>
    tpu.enqueue_indirect_dma source(%dma_start3A_174 : memref<128x128xf32, #tpu.memory_space<vmem>>) target(%dma_start3A_180 : memref<16384x128xf32, #tpu.memory_space<hbm>>) offsets(%dma_start3A_177 : memref<128xi32, #tpu.memory_space<vmem>>) semaphore(%arg19 : memref<!tpu.dma_semaphore, #tpu.memory_space<semaphore_mem>>)
    %dma_start3A_181 = arith.constant 3 : i32
    %dma_start3A_182 = arith.constant 384 : i32
    %dma_start3A_183 = arith.constant 0 : i32
    %dma_start3A_184 = tpu.memref_slice %arg11[%dma_start3A_182, %dma_start3A_183] : memref<512x128xf32, #tpu.memory_space<vmem>> -> memref<128x128xf32, #tpu.memory_space<vmem>>
    %dma_start3A_185 = arith.constant 0 : i32
    %dma_start3A_186 = tpu.memref_slice %arg10[%dma_start3A_181, %dma_start3A_185] : memref<4x128xi32, #tpu.memory_space<vmem>> -> memref<1x128xi32, #tpu.memory_space<vmem>>
    %dma_start3A_187 = tpu.memref_squeeze %dma_start3A_186 : memref<1x128xi32, #tpu.memory_space<vmem>> -> memref<128xi32, #tpu.memory_space<vmem>>
    %dma_start3A_188 = arith.constant 0 : i32
    %dma_start3A_189 = arith.constant 0 : i32
    %dma_start3A_190 = tpu.memref_slice %arg6[%dma_start3A_188, %dma_start3A_189] : memref<16384x128xf32, #tpu.memory_space<hbm>> -> memref<16384x128xf32, #tpu.memory_space<hbm>>
    tpu.enqueue_indirect_dma source(%dma_start3A_184 : memref<128x128xf32, #tpu.memory_space<vmem>>) target(%dma_start3A_190 : memref<16384x128xf32, #tpu.memory_space<hbm>>) offsets(%dma_start3A_187 : memref<128xi32, #tpu.memory_space<vmem>>) semaphore(%arg19 : memref<!tpu.dma_semaphore, #tpu.memory_space<semaphore_mem>>)
    %dma_wait3A_191 = arith.constant 0 : i32
    %dma_wait3A_192 = arith.constant 0 : i32
    %dma_wait3A_193 = arith.constant 0 : i32
    %dma_wait3A_194 = tpu.memref_slice %arg11[%dma_wait3A_192, %dma_wait3A_193] : memref<512x128xf32, #tpu.memory_space<vmem>> -> memref<128x128xf32, #tpu.memory_space<vmem>>
    %dma_wait3A_195 = arith.constant 0 : i32
    %dma_wait3A_196 = tpu.memref_slice %arg10[%dma_wait3A_191, %dma_wait3A_195] : memref<4x128xi32, #tpu.memory_space<vmem>> -> memref<1x128xi32, #tpu.memory_space<vmem>>
    %dma_wait3A_197 = tpu.memref_squeeze %dma_wait3A_196 : memref<1x128xi32, #tpu.memory_space<vmem>> -> memref<128xi32, #tpu.memory_space<vmem>>
    %dma_wait3A_198 = arith.constant 0 : i32
    %dma_wait3A_199 = arith.constant 0 : i32
    %dma_wait3A_200 = tpu.memref_slice %arg6[%dma_wait3A_198, %dma_wait3A_199] : memref<16384x128xf32, #tpu.memory_space<hbm>> -> memref<16384x128xf32, #tpu.memory_space<hbm>>
    tpu.wait_indirect_dma semaphore(%arg19 : memref<!tpu.dma_semaphore, #tpu.memory_space<semaphore_mem>>) src(%dma_wait3A_194 : memref<128x128xf32, #tpu.memory_space<vmem>>) dst(%dma_wait3A_200 : memref<16384x128xf32, #tpu.memory_space<hbm>>)
    %dma_wait3A_201 = arith.constant 1 : i32
    %dma_wait3A_202 = arith.constant 128 : i32
    %dma_wait3A_203 = arith.constant 0 : i32
    %dma_wait3A_204 = tpu.memref_slice %arg11[%dma_wait3A_202, %dma_wait3A_203] : memref<512x128xf32, #tpu.memory_space<vmem>> -> memref<128x128xf32, #tpu.memory_space<vmem>>
    %dma_wait3A_205 = arith.constant 0 : i32
    %dma_wait3A_206 = tpu.memref_slice %arg10[%dma_wait3A_201, %dma_wait3A_205] : memref<4x128xi32, #tpu.memory_space<vmem>> -> memref<1x128xi32, #tpu.memory_space<vmem>>
    %dma_wait3A_207 = tpu.memref_squeeze %dma_wait3A_206 : memref<1x128xi32, #tpu.memory_space<vmem>> -> memref<128xi32, #tpu.memory_space<vmem>>
    %dma_wait3A_208 = arith.constant 0 : i32
    %dma_wait3A_209 = arith.constant 0 : i32
    %dma_wait3A_210 = tpu.memref_slice %arg6[%dma_wait3A_208, %dma_wait3A_209] : memref<16384x128xf32, #tpu.memory_space<hbm>> -> memref<16384x128xf32, #tpu.memory_space<hbm>>
    tpu.wait_indirect_dma semaphore(%arg19 : memref<!tpu.dma_semaphore, #tpu.memory_space<semaphore_mem>>) src(%dma_wait3A_204 : memref<128x128xf32, #tpu.memory_space<vmem>>) dst(%dma_wait3A_210 : memref<16384x128xf32, #tpu.memory_space<hbm>>)
    %dma_wait3A_211 = arith.constant 2 : i32
    %dma_wait3A_212 = arith.constant 256 : i32
    %dma_wait3A_213 = arith.constant 0 : i32
    %dma_wait3A_214 = tpu.memref_slice %arg11[%dma_wait3A_212, %dma_wait3A_213] : memref<512x128xf32, #tpu.memory_space<vmem>> -> memref<128x128xf32, #tpu.memory_space<vmem>>
    %dma_wait3A_215 = arith.constant 0 : i32
    %dma_wait3A_216 = tpu.memref_slice %arg10[%dma_wait3A_211, %dma_wait3A_215] : memref<4x128xi32, #tpu.memory_space<vmem>> -> memref<1x128xi32, #tpu.memory_space<vmem>>
    %dma_wait3A_217 = tpu.memref_squeeze %dma_wait3A_216 : memref<1x128xi32, #tpu.memory_space<vmem>> -> memref<128xi32, #tpu.memory_space<vmem>>
    %dma_wait3A_218 = arith.constant 0 : i32
    %dma_wait3A_219 = arith.constant 0 : i32
    %dma_wait3A_220 = tpu.memref_slice %arg6[%dma_wait3A_218, %dma_wait3A_219] : memref<16384x128xf32, #tpu.memory_space<hbm>> -> memref<16384x128xf32, #tpu.memory_space<hbm>>
    tpu.wait_indirect_dma semaphore(%arg19 : memref<!tpu.dma_semaphore, #tpu.memory_space<semaphore_mem>>) src(%dma_wait3A_214 : memref<128x128xf32, #tpu.memory_space<vmem>>) dst(%dma_wait3A_220 : memref<16384x128xf32, #tpu.memory_space<hbm>>)
    %dma_wait3A_221 = arith.constant 3 : i32
    %dma_wait3A_222 = arith.constant 384 : i32
    %dma_wait3A_223 = arith.constant 0 : i32
    %dma_wait3A_224 = tpu.memref_slice %arg11[%dma_wait3A_222, %dma_wait3A_223] : memref<512x128xf32, #tpu.memory_space<vmem>> -> memref<128x128xf32, #tpu.memory_space<vmem>>
    %dma_wait3A_225 = arith.constant 0 : i32
    %dma_wait3A_226 = tpu.memref_slice %arg10[%dma_wait3A_221, %dma_wait3A_225] : memref<4x128xi32, #tpu.memory_space<vmem>> -> memref<1x128xi32, #tpu.memory_space<vmem>>
    %dma_wait3A_227 = tpu.memref_squeeze %dma_wait3A_226 : memref<1x128xi32, #tpu.memory_space<vmem>> -> memref<128xi32, #tpu.memory_space<vmem>>
    %dma_wait3A_228 = arith.constant 0 : i32
    %dma_wait3A_229 = arith.constant 0 : i32
    %dma_wait3A_230 = tpu.memref_slice %arg6[%dma_wait3A_228, %dma_wait3A_229] : memref<16384x128xf32, #tpu.memory_space<hbm>> -> memref<16384x128xf32, #tpu.memory_space<hbm>>
    tpu.wait_indirect_dma semaphore(%arg19 : memref<!tpu.dma_semaphore, #tpu.memory_space<semaphore_mem>>) src(%dma_wait3A_224 : memref<128x128xf32, #tpu.memory_space<vmem>>) dst(%dma_wait3A_230 : memref<16384x128xf32, #tpu.memory_space<hbm>>)
    return
  }
}

</mosaic_0001>

<sc_bundles>
// kernel: kernel.3.cloned.1.call-start
scs
__scs_entry_jumppad:
0x0: {  	(pc) =	sbr.rel $0x88, $3  }
0x1: {  	(tag) =	ssettag $0x0;
	lr =	simm.s32 $0x1  }
0x2: {  	[smem:$0x3F9F] =	sst lr;
	_ =	strace $0xD0000000  }
0x3: {  	_ = 	snop  }
0x4: {  	_ = 	snop  }
0x5: {  	_ = 	snop  }
0x6: {  	_ = 	snop  }
0x7: {  	_ = 	snop  }
__scs_overlays_trampoline_lowered:
0x8: {  	[smem:$0x3FAE] =	sst s0  }
0x9: {  	[smem:$0x3FAF] =	sst s1  }
0xa: {  	[smem:$0x3FB0] =	sst s2  }
0xb: {  	[smem:$0x3FB1] =	sst s3  }
0xc: {  	[smem:$0x3FB2] =	sst s4  }
0xd: {  	[smem:$0x3FB3] =	sst s5  }
0xe: {  	[smem:$0x3FB4] =	sst s6  }
0xf: {  	[smem:$0x3FB5] =	sst s7  }
0x10: {  	[smem:$0x3FB6] =	sst s8  }
0x11: {  	[smem:$0x3FB7] =	sst s9;
	s0 =	simm.s32 @!p0 $0x0  }
0x12: {  	s1 =	sld [smem:$0x3F9D];
	s0 =	simm.s32 @p0 $0x1  }
0x13: {  	[smem:$0x3FB8] =	sst s0;
	s0 =	simm.s32 @!p1 $0x0  }
0x14: {  	s2 =	sld [smem:$0x3F9C];
	s0 =	simm.s32 @p1 $0x1  }
0x15: {  	[smem:$0x3FB9] =	sst s0;
	s0 =	simm.s32 @!p2 $0x0  }
0x16: {  	s3 =	sld [smem:$0x3FDB];
	s0 =	simm.s32 @p2 $0x1  }
0x17: {  	s4 =	simm.s32 $0x1BF5;
	[smem:$0x3FBB] =	sst s0  }
0x18: {  	s0 =	sld [smem:$0x3F9E];
	_ =	swait.ge [sflag:s4], $0x0  }
0x19: {  	s7 =	sld [smem:$0x3F9F]  }
0x1a: {  	s8 =	sadd.s32 $0xFFFFE003, lr  }
0x1b: {  	s9 =	sadd.s32 $0xFFFFFEF7, lr;
	s5 =	simm.s32 $0xFFFFFFFF;
	p2 =	slt.u32 s8, $0xFFFFF086  }
0x1c: {  	p1 =	slt.u32 s9, $0xF7A;
	s5 =	simm.s32 @!p2 $0x0  }
0x1d: {  	s5 =	simm.s32 @p1 $0x1;
	p0 =	seq.s32 s7, s2  }
0x1e: {  	s7 =	smul.u32 @!p0 $0xF7A, s2;
	p2 =	seq.s32 @!p0 s5, $0x0  }
0x1f: {  	s9 =	smul.u32 $0xF7A, s1;
	s8 =	simm.s32 @!p0 $0x1BF5;
	p2 =	por !p2, p0  }
0x20: {  	[sflag:s8] =	ssyncset.s32 @!p0 $0xFFFFF086;
	s6 =	sadd.s32 @!p0 s3, s7;
	s7 =	simm.s32 @!p0 $0x108  }
0x21: {  	s3 =	sadd.s32 s3, s9;
	s6 =	sadd.s32 @!p0 $0x88, s6;
	s7 =	simm.s32 @p2 $0x1082  }
0x22: {  	[simem:s7], [sflag:s8] =	dma.local @!p0 [hbm:s6], $0xF7A  }
0x23: {  	s9 =	sor.u32 $0xD0000000, s2;
	s6 =	simm.s32 $0x108;
	_ =	swait.ge @!p0 [sflag:s8], $0x0  }
0x24: {  	s3 =	sadd.s32 $0x88, s3;
	s6 =	simm.s32 @!p1 $0x1082;
	[sflag:s4] =	ssyncset.s32 $0xFFFFF086  }
0x25: {  	[simem:s6], [sflag:s4] =	dma.local [hbm:s3], $0xF7A  }
0x26: {  	[smem:$0x3F9F] =	sst s1;
	(tag) =	ssettag s2;
	_ =	strace s9  }
0x27: {  	s1 =	sld [smem:$0x3FAF]  }
0x28: {  	s2 =	sld [smem:$0x3FB0]  }
0x29: {  	s4 =	sld [smem:$0x3FB2]  }
0x2a: {  	p0 =	seq.s32 s5, $0x0;
	s5 =	sld [smem:$0x3FB3]  }
0x2b: {  	s6 =	sld [smem:$0x3FB4]  }
0x2c: {  	s7 =	sld [smem:$0x3FB5]  }
0x2d: {  	s3 =	simm.s32 $0x108;
	s8 =	sld [smem:$0x3FB6]  }
0x2e: {  	s3 =	simm.s32 @!p0 $0x1082;
	s9 =	sld [smem:$0x3FB7]  }
0x2f: {  	lr =	sadd.s32 s0, s3;
	s0 =	sld [smem:$0x3FAE]  }
0x30: {  	s3 =	sld [smem:$0x3FB1]  }
0x31: {  	[smem:$0x3FBA] =	sst s10  }
0x32: {  	s10 =	sld [smem:$0x3FB8];
	_ =	sdelay $0x3  }
0x33: {  	p0 =	seq.s32 s10, $0x1;
	s10 =	sld [smem:$0x3FBA];
	_ =	sdelay $0x3  }
0x34: {  	[smem:$0x3FBA] =	sst s10  }
0x35: {  	s10 =	sld [smem:$0x3FB9];
	_ =	sdelay $0x3  }
0x36: {  	p1 =	seq.s32 s10, $0x1;
	s10 =	sld [smem:$0x3FBA];
	_ =	sdelay $0x3  }
0x37: {  	[smem:$0x3FBA] =	sst s10  }
0x38: {  	s10 =	sld [smem:$0x3FBB]  }
0x39: {  	_ = 	snop;
	(pc) =	sbr.ind lr, $3  }
0x3a: {  	_ = 	snop  }
0x3b: {  	_ = 	snop  }
0x3c: {  	p2 =	seq.s32 s10, $0x1;
	s10 =	sld [smem:$0x3FBA]  }
0x3d: {  	_ =	shalt  }
0x3e: {  	_ =	shalt  }
0x3f: {  	_ =	shalt  }
0x40: {  	_ =	shalt  }
0x41: {  	_ =	shalt  }
0x42: {  	_ =	shalt  }
0x43: {  	_ =	shalt  }
0x44: {  	_ =	shalt  }
0x45: {  	_ =	shalt  }
0x46: {  	_ =	shalt  }
0x47: {  	_ =	shalt  }
0x48: {  	_ =	shalt  }
0x49: {  	_ =	shalt  }
0x4a: {  	_ =	shalt  }
0x4b: {  	_ =	shalt  }
0x4c: {  	_ =	shalt  }
0x4d: {  	_ =	shalt  }
0x4e: {  	_ =	shalt  }
0x4f: {  	_ =	shalt  }
0x50: {  	_ =	shalt  }
0x51: {  	_ =	shalt  }
0x52: {  	_ =	shalt  }
0x53: {  	_ =	shalt  }
0x54: {  	_ =	shalt  }
0x55: {  	_ =	shalt  }
0x56: {  	_ =	shalt  }
0x57: {  	_ =	shalt  }
0x58: {  	_ =	shalt  }
0x59: {  	_ =	shalt  }
0x5a: {  	_ =	shalt  }
0x5b: {  	_ =	shalt  }
0x5c: {  	_ =	shalt  }
0x5d: {  	_ =	shalt  }
0x5e: {  	_ =	shalt  }
0x5f: {  	_ =	shalt  }
0x60: {  	_ =	shalt  }
0x61: {  	_ =	shalt  }
0x62: {  	_ =	shalt  }
0x63: {  	_ =	shalt  }
0x64: {  	_ =	shalt  }
0x65: {  	_ =	shalt  }
0x66: {  	_ =	shalt  }
0x67: {  	_ =	shalt  }
0x68: {  	_ =	shalt  }
0x69: {  	_ =	shalt  }
0x6a: {  	_ =	shalt  }
0x6b: {  	_ =	shalt  }
0x6c: {  	_ =	shalt  }
0x6d: {  	_ =	shalt  }
0x6e: {  	_ =	shalt  }
0x6f: {  	_ =	shalt  }
0x70: {  	_ =	shalt  }
0x71: {  	_ =	shalt  }
0x72: {  	_ =	shalt  }
0x73: {  	_ =	shalt  }
0x74: {  	_ =	shalt  }
0x75: {  	_ =	shalt  }
0x76: {  	_ =	shalt  }
0x77: {  	_ =	shalt  }
0x78: {  	_ =	shalt  }
0x79: {  	_ =	shalt  }
0x7a: {  	_ =	shalt  }
0x7b: {  	_ =	shalt  }
0x7c: {  	_ =	shalt  }
0x7d: {  	_ =	shalt  }
0x7e: {  	_ =	shalt  }
0x7f: {  	_ =	shalt  }
0x80: {  	_ =	shalt  }
0x81: {  	_ =	shalt  }
0x82: {  	_ =	shalt  }
0x83: {  	_ =	shalt  }
0x84: {  	_ =	shalt  }
0x85: {  	_ =	shalt  }
0x86: {  	_ =	shalt  }
0x87: {  	_ =	shalt  }
.Lfunc_end0:
.L_simem_size_0:
called_computation_lowered:
.L_overlay_start_0:
0x88: {  	s2 =	sld [smem:$0x3FD9]  }
0x89: {  	s3 =	sld [smem:$0x3FFE];
	_ =	sdelay $0x1  }
0x8a: {  	s1 =	srdreg.scid  }
0x8b: {  	s0 =	sand.u32 $0x1, s1  }
0x8c: {  	s17 =	sshll.u32 s0, $0xA;
	s2 =	sadd.s32 s3, s2  }
0x8d: {  	s2 =	sadd.s32 s2, s17  }
0x8e: {  	[smem:$0x3FC6] =	sst s2  }
0x8f: {  	_ = 	snop  }
0x90: {  	s2 =	sld [smem:$0x3FC8]  }
0x91: {  	s18 =	sld [smem:$0x3FD0];
	(tm) =	ssettm $0x1  }
0x92: {  	s4 =	sld [smem:$0x3FFB];
	_ =	sdelay $0x3  }
0x93: {  	_ =	strace s4  }
0x94: {  	s4 =	sld [smem:$0x3FFC];
	_ =	sdelay $0x3  }
0x95: {  	_ =	strace s4  }
0x96: {  	s4 =	sld [smem:$0x3FFD];
	_ =	sdelay $0x3  }
0x97: {  	_ =	strace s4  }
0x98: {  	_ =	strace $0x8FFFFFFF  }
0x99: {  	s19 =	sld [smem:$0x3FDB];
	_ =	sdelay $0x1  }
0x9a: {  	s5 =	simm.s32 $_scs_section_size  }
0x9b: {  	s6 =	simm.s32 $_size__tile_overlayer_lowered;
	s7 =	simm.s32 $_tile_overlayer_lowered  }
0x9c: {  	s22 =	simm.s32 $0x1BFF;
	s21 =	sshll.u32 s7, $0x1;
	s4 =	sadd.s32 s5, s19  }
0x9d: {  	s8 =	simm.s32 $0x0;
	s20 =	sshll.u32 s6, $0x1;
	s6 =	sadd.s32 s21, s4  }
0x9e: {  	[timem:s8], [sflag:s22] =	dma.local [hbm:s6], s20  }
0x9f: {  	_ =	swait.ge [sflag:s22], s20  }
0xa0: {  	s5 =	ssub.s32 $0x0, s20;
	[sflag:s22] =	ssyncset.done $0x0  }
0xa1: {  	[sflag:s22] =	ssyncadd.s32 s5;
	_ =	sdelay $0x1  }
0xa2: {  	s23 =	simm.s32 $0x1B8B  }
0xa3: {  	_ =	swait.ge [sflag:s23], $0x1  }
0xa4: {  	[sflag:s23] =	ssyncset.done $0x0  }
0xa5: {  	s25 =	simm.s32 $0x1B8E;
	s24 =	sld [smem:$0x3FFE];
	[sflag:s23] =	ssyncadd.s32 $0xFFFFFFFF  }
0xa6: {  	s26 =	simm.s32 $execute0_lowered;
	[smem:$0x3FD2] =	sst s25  }
0xa7: {  	s6 =	sshll.u32 s26, $0x1;
	_ =	strace $0x80000046;
	[dreg:$0x1] =	wrdreg $0xFFFFFFFF  }
0xa8: {  	s28 =	simm.s32 $_size_execute0_lowered;
	s4 =	sadd.s32 s4, s6;
	[dreg:$0x0] =	wrdreg $0x0  }
0xa9: {  	s6 =	sshll.u32 s28, $0x1;
	[dreg:$0x2] =	wrdreg s4  }
0xaa: {  	[dreg:$0x3] =	wrdreg s6  }
0xab: {  	[dreg:$0x4] =	wrdreg $0xC0  }
0xac: {  	_ =	task [dreg:s8], $0x5FFFF  }
0xad: {  	[dreg:$0x1] =	wrdreg $0xFFFFFFFF  }
0xae: {  	[dreg:$0x0] =	wrdreg $0x60  }
0xaf: {  	[dreg:$0x2] =	wrdreg s2  }
0xb0: {  	[dreg:$0x3] =	wrdreg s24  }
0xb1: {  	[dreg:$0x4] =	wrdreg s18  }
0xb2: {  	[dreg:$0x5] =	wrdreg $0x9  }
0xb3: {  	_ =	task.clear_ibuf [dreg:s8], $0x6FFFF;
	_ =	strace $0x90000046  }
0xb4: {  	s29 =	simm.s32 $0x9;
	_ =	strace $0x80000048  }
0xb5: {  	_ =	swait.ge [sflag:s29], $0x1  }
0xb6: {  	[sflag:s29] =	ssyncadd.s32 $0xFFFFFFFF  }
0xb7: {  	_ =	strace $0x90000048  }
0xb8: {  	_ =	sfence  }
0xb9: {  	s30 =	sld [smem:$0x0];
	_ =	sdelay $0x2  }
0xba: {  	s31 =	sshll.u32 s1, $0xD;
	s1 =	sshrl.u32 s1, $0x2  }
0xbb: {  	s3 =	sand.u32 $0x4000, s31;
	s1 =	sadd.s32 s1, s30  }
0xbc: {  	s0 =	sor.u32 s3, s0;
	s1 =	sshll.u32 s1, $0x11  }
0xbd: {  	s0 =	sor.u32 s1, s0  }
0xbe: {  	s0 =	sadd.s32 $0x8F2B, s0  }
0xbf: {  	[sflag:s0] =	ssyncadd.remote.s32 $0x1  }
0xc0: {  	_ =	sfence.sel $0xFFFF  }
0xc1: {  	[dreg:$0x0] =	wrdreg $0xFFFFFFFF;
	(pc) =	sbr.abs _section_cstart, $3  }
0xc2: {  	[dreg:$0x1] =	wrdreg $0xFFFFFFFF  }
0xc3: {  	_ =	task.clear_ibuf [dreg:s8], $0x2FFFF;
	_ =	strace $0x9FFFFFFF  }
0xc4: {  	(tm) =	ssettm $0x7FFFFFFF  }
0xc5: {  	_ =	shalt  }
tec
execute0_lowered:
.L_overlay_start_1:
0x0: {  	(tag) =	ssettag $0x1  }
0x1: {  	v0 =	vimm.s32 $0xB80  }
0x2: {  	vm14 =	vcmask $0x300;
	vm13 =	vcmask $0x704;
	vm12 =	vcmask $0xB08  }
0x3: {  	vm11 =	vcmask $0xF0C;
	vm10 =	vcmask $0x1310;
	vm9 =	vcmask $0x1714  }
0x4: {  	vm8 =	vcmask $0x1B18;
	vm7 =	vcmask $0x1F1C;
	vm6 =	vcmask $0x2320  }
0x5: {  	vm5 =	vcmask $0x2724;
	vm4 =	vcmask $0x2B28;
	vm3 =	vcmask $0x2F2C  }
0x6: {  	vm2 =	vcmask $0x3330;
	vm1 =	vcmask $0x3734;
	vm0 =	vcmask $0x3B38  }
0x7: {  	v1 =	vimm.s32 $0x1B80;
	v2 =	vimm.s32 $0x2B80;
	v3 =	vimm.s32 $0x3B80  }
0x8: {  	v0 =	vsel vm14, $0x0, v0;
	v1 =	vsel vm14, $0x1000, v1;
	v2 =	vsel vm14, $0x2000, v2  }
0x9: {  	v3 =	vsel vm14, $0x3000, v3;
	v0 =	vsel vm13, $0x80, v0;
	v1 =	vsel vm13, $0x1080, v1  }
0xa: {  	v2 =	vsel vm13, $0x2080, v2;
	v3 =	vsel vm13, $0x3080, v3;
	v0 =	vsel vm12, $0x100, v0  }
0xb: {  	v1 =	vsel vm12, $0x1100, v1;
	v2 =	vsel vm12, $0x2100, v2;
	v3 =	vsel vm12, $0x3100, v3  }
0xc: {  	s0 =	rddreg [dreg:$0x0];
	v0 =	vsel vm11, $0x180, v0;
	v1 =	vsel vm11, $0x1180, v1;
	v2 =	vsel vm11, $0x2180, v2  }
0xd: {  	s1 =	rddreg [dreg:$0x1];
	v3 =	vsel vm11, $0x3180, v3;
	v0 =	vsel vm10, $0x200, v0;
	v1 =	vsel vm10, $0x1200, v1  }
0xe: {  	s2 =	rddreg [dreg:$0x2];
	s4 =	simm.s32 $0x0;
	v2 =	vsel vm10, $0x2200, v2;
	v3 =	vsel vm10, $0x3200, v3;
	v0 =	vsel vm9, $0x280, v0  }
0xf: {  	s3 =	srdreg.scid;
	s6 =	stileid.u32;
	s9 =	simm.s32 $0x4;
	v1 =	vsel vm9, $0x1280, v1;
	v2 =	vsel vm9, $0x2280, v2;
	v3 =	vsel vm9, $0x3280, v3  }
0x10: {  	s11 =	simm.s32 $0x80;
	s14 =	simm.s32 $0x1;
	s15 =	simm.s32 $0x7A1400;
	v0 =	vsel vm8, $0x300, v0;
	v1 =	vsel vm8, $0x1300, v1;
	v2 =	vsel vm8, $0x2300, v2  }
0x11: {  	s16 =	simm.s32 $0x800;
	s17 =	simm.s32 $0x11380;
	s18 =	simm.s32 $0x15380;
	v3 =	vsel vm8, $0x3300, v3;
	v0 =	vsel vm7, $0x380, v0;
	v1 =	vsel vm7, $0x1380, v1  }
0x12: {  	s19 =	simm.s32 $0x19380;
	s20 =	simm.s32 $0x2;
	s21 =	simm.s32 $0x3;
	v2 =	vsel vm7, $0x2380, v2;
	v3 =	vsel vm7, $0x3380, v3;
	v0 =	vsel vm6, $0x800, v0  }
0x13: {  	[smem:$0x7FF] =	sst s4;
	s3 =	sand.u32 $0x1, s3;
	s25 =	sshll.u32 s6, $0x1;
	v1 =	vsel vm6, $0x1800, v1;
	v2 =	vsel vm6, $0x2800, v2;
	v3 =	vsel vm6, $0x3800, v3  }
0x14: {  	s6 =	sshrl.u32 s6, $0x2;
	s4 =	sadd.s32 $0x1000, s1;
	_ =	strace $0x80000047;
	v0 =	vsel vm5, $0x880, v0;
	v1 =	vsel vm5, $0x1880, v1;
	v2 =	vsel vm5, $0x2880, v2  }
0x15: {  	s5 =	sor.u32 s3, s25;
	s6 =	smul.u32 $0x7C00, s6;
	s3 =	ssub.s32 $0x2, s3;
	v3 =	vsel vm5, $0x3880, v3;
	v0 =	vsel vm4, $0x900, v0;
	v1 =	vsel vm4, $0x1900, v1  }
0x16: {  	s7 =	sshll.u32 s5, $0x7;
	s5 =	sshll.u32 s5, $0x6;
	s8 =	sshrl.u32 s3, $0x1;
	v2 =	vsel vm4, $0x2900, v2;
	v3 =	vsel vm4, $0x3900, v3;
	v0 =	vsel vm3, $0x980, v0  }
.Ltmp0:
0x17: {  	s7 =	sand.u32 $0x380, s7;
	s5 =	sadd.s32 s1, s5;
	v1 =	vsel vm3, $0x1980, v1;
	v2 =	vsel vm3, $0x2980, v2;
	v3 =	vsel vm3, $0x3980, v3;
	(pc) =	sbr.rel .LBB2_1-.Ltmp0, $4  }
0x18: {  	s3 =	ssub.s32 s3, s8;
	s26 =	sor.u32 s6, s7;
	s28 =	sadd.s32 $0x800, s5;
	v0 =	vsel vm2, $0xA00, v0;
	v1 =	vsel vm2, $0x1A00, v1;
	v2 =	vsel vm2, $0x2A00, v2  }
0x19: {  	s29 =	smax.u32 s3, $0x1;
	[dreg:$0x4] =	wrdreg s28;
	s1 =	sshrl.u32 s26, $0x3;
	v3 =	vsel vm2, $0x3A00, v3;
	v0 =	vsel vm1, $0xA80, v0;
	v1 =	vsel vm1, $0x1A80, v1  }
0x1a: {  	s30 =	simm.s32 $0x5;
	[dreg:$0x6] =	wrdreg s29;
	s1 =	sadd.s32 s2, s1;
	v2 =	vsel vm1, $0x2A80, v2;
	v3 =	vsel vm1, $0x3A80, v3;
	v0 =	vsel vm0, $0xB00, v0  }
0x1b: {  	s31 =	simm.s32 $0x0;
	s3 =	simm.s32 $0x1180;
	[dreg:$0x5] =	wrdreg s1;
	v1 =	vsel vm0, $0x1B00, v1;
	v2 =	vsel vm0, $0x2B00, v2;
	v3 =	vsel vm0, $0x3B00, v3  }
.LBB2_27:
0x1c: {  	_ =	swait.ge [sflag:s14], $0x4000  }
0x1d: {  	[sflag:s14] =	ssyncset.done $0x0  }
0x1e: {  	[sflag:s14] =	ssyncadd.s32 $0xFFFFC000  }
0x1f: {  	_ =	swait.ge [sflag:s20], $0x4000  }
0x20: {  	[sflag:s20] =	ssyncset.done $0x0  }
0x21: {  	[sflag:s20] =	ssyncadd.s32 $0xFFFFC000  }
0x22: {  	_ =	swait.ge [sflag:s21], $0x4000  }
0x23: {  	[sflag:s21] =	ssyncset.done $0x0  }
0x24: {  	s3 =	simm.s32 $0x1180;
	s1 =	simm.s32 $0x1380;
	[sflag:s21] =	ssyncadd.s32 $0xFFFFC000  }
0x25: {  	[hbm4b:s4+s11] =	stream.indirect.scatter [tilespmem:s1], [sflag:$0x5], $0x80, s3, s11, $0xb8;
	[tilespmem:$0x1D380] =	vst v63  }
0x26: {  	s23 =	simm.s32 $0x1200;
	s2 =	simm.s32 $0x5380  }
0x27: {  	[hbm4b:s4+s11] =	stream.indirect.scatter [tilespmem:s2], [sflag:$0x5], $0x80, s23, s11, $0xb8;
	[tilespmem:$0x1D380] =	vst v63  }
0x28: {  	s24 =	simm.s32 $0x1280;
	s25 =	simm.s32 $0x9380  }
0x29: {  	[hbm4b:s4+s11] =	stream.indirect.scatter [tilespmem:s25], [sflag:$0x5], $0x80, s24, s11, $0xb8;
	[tilespmem:$0x1D380] =	vst v63  }
0x2a: {  	s26 =	simm.s32 $0x1300;
	s28 =	simm.s32 $0xD380  }
0x2b: {  	[hbm4b:s4+s11] =	stream.indirect.scatter [tilespmem:s28], [sflag:$0x5], $0x80, s26, s11, $0xb8;
	[tilespmem:$0x1D380] =	vst v63  }
0x2c: {  	_ =	swait.ge [sflag:s30], $0x4000  }
0x2d: {  	[sflag:s30] =	ssyncset.done $0x0  }
0x2e: {  	[sflag:s30] =	ssyncadd.s32 $0xFFFFC000  }
0x2f: {  	_ =	swait.ge [sflag:s30], $0x4000  }
0x30: {  	[sflag:s30] =	ssyncset.done $0x0  }
0x31: {  	[sflag:s30] =	ssyncadd.s32 $0xFFFFC000  }
0x32: {  	_ =	swait.ge [sflag:s30], $0x4000  }
0x33: {  	[sflag:s30] =	ssyncset.done $0x0  }
0x34: {  	[sflag:s30] =	ssyncadd.s32 $0xFFFFC000  }
0x35: {  	_ =	swait.ge [sflag:s30], $0x4000  }
0x36: {  	s31 =	sadd.s32 $0x1, s31;
	s29 =	rddreg [dreg:$0x6]  }
0x37: {  	p0 =	sne.s32 s31, s29  }
.Ltmp1:
0x38: {  	_ = 	snop;
	(pc) =	sbr.rel @!p0 .LBB2_28-.Ltmp1, $3  }
0x39: {  	_ =	sdelay $0x1  }
0x3a: {  	[sflag:s30] =	ssyncset.done $0x0  }
0x3b: {  	[sflag:s30] =	ssyncadd.s32 $0xFFFFC000  }
.LBB2_1:
0x3c: {  	s1 =	simm.s32 $0x0;
	s2 =	rddreg [dreg:$0x4]  }
0x3d: {  	[tilespmem:s1], [sflag:$0x4] =	stream.linear.gather [hbm4b:s2+s1], $0x200, $0x38;
	[tilespmem:$0x1D380] =	vst v63  }
0x3e: {  	_ =	swait.ge [sflag:s9], $0x200  }
0x3f: {  	[sflag:s9] =	ssyncset.done $0x0  }
0x40: {  	[sflag:s9] =	ssyncadd.s32 $0xFFFFFE00  }
0x41: {  	[tilespmem:s3], [sflag:$0x4] =	stream.linear.gather [hbm4b:s5+s1], $0x200, $0x38;
	[tilespmem:$0x1D380] =	vst v63  }
0x42: {  	_ =	swait.ge [sflag:s9], $0x200  }
0x43: {  	s25 =	simm.s32 $0x400;
	[sflag:s9] =	ssyncset.done $0x0  }
0x44: {  	s26 =	simm.s32 $0x200;
	s24 =	rddreg [dreg:$0x5];
	[sflag:s9] =	ssyncadd.s32 $0xFFFFFE00  }
0x45: {  	[tilespmem:s26], [sflag:$0x4] =	stream.strided.gather [hbm4b:s24+s11], $0xF80, s25, s11, $0x38;
	[tilespmem:$0x1D380] =	vst v63  }
0x46: {  	_ =	swait.ge [sflag:s9], $0xF80  }
0x47: {  	[sflag:s9] =	ssyncset.done $0x0  }
0x48: {  	s2 =	simm.s32 $0x0;
	[sflag:s9] =	ssyncadd.s32 $0xFFFFF080  }
0x49: {  	v5 =	vld [tilespmem:s2+$0x0];
	_ =	sdelay $0x4  }
0x4a: {  	(v2sf) =	vpush v5, $0x0  }
0x4b: {  	(v2sf) =	vpush v5, $0x1;
	_ =	sdelay $0x1  }
0x4c: {  	(v2sf) =	vpush v5, $0x2  }
0x4d: {  	(v2sf) =	vpush v5, $0x3  }
0x4e: {  	(v2sf) =	vpush v5, $0x4  }
0x4f: {  	(v2sf) =	vpush v5, $0x5  }
0x50: {  	(v2sf) =	vpush v5, $0x6  }
0x51: {  	(v2sf) =	vpush v5, $0x7  }
0x52: {  	(v2sf) =	vpush v5, $0x8  }
0x53: {  	(v2sf) =	vpush v5, $0x9  }
0x54: {  	s1 =	simm.s32 $0x10;
	(v2sf) =	vpush v5, $0xA  }
0x55: {  	v4 =	vld [tilespmem:s1+$0x0];
	(v2sf) =	vpush v5, $0xB  }
0x56: {  	(v2sf) =	vpush v5, $0xC  }
0x57: {  	(v2sf) =	vpush v5, $0xD  }
0x58: {  	(v2sf) =	vpush v5, $0xE;
	s28 =	spop (v2sf)  }
0x59: {  	(v2sf) =	vpush v5, $0xF;
	[smem:s2] =	sst s28;
	s29 =	spop (v2sf)  }
0x5a: {  	(v2sf) =	vpush v4, $0x0;
	[smem:$0x1] =	sst s29  }
0x5b: {  	s3 =	spop (v2sf)  }
0x5c: {  	(v2sf) =	vpush v4, $0x1;
	[smem:$0x2] =	sst s3  }
0x5d: {  	s3 =	spop (v2sf)  }
0x5e: {  	(v2sf) =	vpush v4, $0x2;
	[smem:$0x3] =	sst s3  }
0x5f: {  	s3 =	spop (v2sf)  }
0x60: {  	(v2sf) =	vpush v4, $0x3;
	[smem:$0x4] =	sst s3  }
0x61: {  	s3 =	spop (v2sf)  }
0x62: {  	(v2sf) =	vpush v4, $0x4;
	[smem:$0x5] =	sst s3  }
0x63: {  	s3 =	spop (v2sf)  }
0x64: {  	(v2sf) =	vpush v4, $0x5;
	[smem:$0x6] =	sst s3  }
0x65: {  	s3 =	spop (v2sf)  }
0x66: {  	(v2sf) =	vpush v4, $0x6;
	[smem:$0x7] =	sst s3  }
0x67: {  	s3 =	spop (v2sf)  }
0x68: {  	(v2sf) =	vpush v4, $0x7;
	[smem:$0x8] =	sst s3  }
0x69: {  	s3 =	spop (v2sf)  }
0x6a: {  	(v2sf) =	vpush v4, $0x8;
	[smem:$0x9] =	sst s3  }
0x6b: {  	s3 =	spop (v2sf)  }
0x6c: {  	(v2sf) =	vpush v4, $0x9;
	[smem:$0xA] =	sst s3  }
0x6d: {  	s3 =	spop (v2sf)  }
0x6e: {  	(v2sf) =	vpush v4, $0xA;
	[smem:$0xB] =	sst s3  }
0x6f: {  	s3 =	spop (v2sf)  }
0x70: {  	(v2sf) =	vpush v4, $0xB;
	[smem:$0xC] =	sst s3  }
0x71: {  	s12 =	simm.s32 $0x20;
	s3 =	spop (v2sf)  }
0x72: {  	v5 =	vld [tilespmem:s12+$0x0];
	(v2sf) =	vpush v4, $0xC;
	[smem:$0xD] =	sst s3  }
0x73: {  	s3 =	spop (v2sf)  }
0x74: {  	(v2sf) =	vpush v4, $0xD;
	[smem:$0xE] =	sst s3  }
0x75: {  	s3 =	simm.s32 $0xC0;
	s6 =	spop (v2sf)  }
.LBB2_2:
0x76: {  	p0 =	sne.s32 s3, $0x7C0;
	[smem:s2+$0xF] =	sst s6;
	s6 =	smov.u32 s3  }
0x77: {  	(v2sf) =	vpush v4, $0xE;
	s3 =	sadd.s32 $0x40, s3;
	s2 =	smov.u32 s1;
	s1 =	smov.u32 s12  }
0x78: {  	s7 =	spop (v2sf);
	(v2sf) =	vpush v4, $0xF  }
0x79: {  	[smem:s2] =	sst s7;
	s7 =	spop (v2sf)  }
0x7a: {  	(v2sf) =	vpush v5, $0x0;
	[smem:s2+$0x1] =	sst s7;
	s7 =	spop (v2sf);
	v4 =	vmov v5  }
0x7b: {  	(v2sf) =	vpush v4, $0x1;
	[smem:s2+$0x2] =	sst s7;
	s7 =	spop (v2sf)  }
0x7c: {  	(v2sf) =	vpush v4, $0x2;
	[smem:s2+$0x3] =	sst s7;
	s7 =	spop (v2sf)  }
0x7d: {  	(v2sf) =	vpush v4, $0x3;
	[smem:s2+$0x4] =	sst s7;
	s7 =	spop (v2sf)  }
0x7e: {  	(v2sf) =	vpush v4, $0x4;
	[smem:s2+$0x5] =	sst s7;
	s7 =	spop (v2sf)  }
0x7f: {  	(v2sf) =	vpush v4, $0x5;
	[smem:s2+$0x6] =	sst s7;
	s7 =	spop (v2sf)  }
0x80: {  	(v2sf) =	vpush v4, $0x6;
	[smem:s2+$0x7] =	sst s7;
	s7 =	spop (v2sf)  }
0x81: {  	(v2sf) =	vpush v4, $0x7;
	[smem:s2+$0x8] =	sst s7;
	s7 =	spop (v2sf)  }
0x82: {  	(v2sf) =	vpush v4, $0x8;
	[smem:s2+$0x9] =	sst s7;
	s7 =	spop (v2sf)  }
0x83: {  	[smem:s2+$0xA] =	sst s7  }
.Ltmp2:
0x84: {  	(v2sf) =	vpush v4, $0x9;
	s7 =	spop (v2sf);
	(pc) =	sbr.rel @p0 .LBB2_2-.Ltmp2, $4  }
0x85: {  	(v2sf) =	vpush v4, $0xA;
	[smem:s2+$0xB] =	sst s7;
	s7 =	spop (v2sf)  }
0x86: {  	s12 =	sshra.s32 s6, $0x2;
	(v2sf) =	vpush v4, $0xB;
	[smem:s2+$0xC] =	sst s7;
	s6 =	spop (v2sf)  }
0x87: {  	v5 =	vld [tilespmem:s12+$0x0];
	(v2sf) =	vpush v4, $0xC;
	[smem:s2+$0xD] =	sst s6;
	s6 =	spop (v2sf)  }
0x88: {  	(v2sf) =	vpush v4, $0xD;
	[smem:s2+$0xE] =	sst s6;
	s6 =	spop (v2sf)  }
0x89: {  	_ = 	snop  }
0x8a: {  	(v2sf) =	vpush v4, $0xE  }
0x8b: {  	[smem:s2+$0xF] =	sst s6;
	s3 =	spop (v2sf);
	(v2sf) =	vpush v4, $0xF  }
0x8c: {  	[smem:s1] =	sst s3;
	s6 =	spop (v2sf);
	(v2sf) =	vpush v5, $0x0  }
0x8d: {  	[smem:s1+$0x1] =	sst s6;
	s7 =	spop (v2sf);
	(v2sf) =	vpush v5, $0x1  }
0x8e: {  	[smem:s1+$0x2] =	sst s7;
	s8 =	spop (v2sf);
	(v2sf) =	vpush v5, $0x2  }
0x8f: {  	[smem:s1+$0x3] =	sst s8;
	s10 =	spop (v2sf);
	(v2sf) =	vpush v5, $0x3  }
0x90: {  	[smem:s1+$0x4] =	sst s10;
	s13 =	spop (v2sf);
	(v2sf) =	vpush v5, $0x4  }
0x91: {  	[smem:s1+$0x5] =	sst s13;
	s22 =	spop (v2sf);
	(v2sf) =	vpush v5, $0x5  }
0x92: {  	[smem:s1+$0x6] =	sst s22;
	s23 =	spop (v2sf);
	(v2sf) =	vpush v5, $0x6  }
0x93: {  	[smem:s1+$0x7] =	sst s23;
	s24 =	spop (v2sf);
	(v2sf) =	vpush v5, $0x7  }
0x94: {  	[smem:s1+$0x8] =	sst s24;
	s25 =	spop (v2sf);
	(v2sf) =	vpush v5, $0x8  }
0x95: {  	[smem:s1+$0x9] =	sst s25;
	s26 =	spop (v2sf);
	(v2sf) =	vpush v5, $0x9  }
0x96: {  	[smem:s1+$0xA] =	sst s26;
	s28 =	spop (v2sf);
	(v2sf) =	vpush v5, $0xA  }
0x97: {  	[smem:s1+$0xB] =	sst s28;
	s29 =	spop (v2sf);
	(v2sf) =	vpush v5, $0xB  }
0x98: {  	[smem:s1+$0xC] =	sst s29;
	s3 =	spop (v2sf);
	(v2sf) =	vpush v5, $0xC  }
0x99: {  	[smem:s1+$0xD] =	sst s3;
	s6 =	spop (v2sf);
	(v2sf) =	vpush v5, $0xD  }
0x9a: {  	[smem:s1+$0xE] =	sst s6;
	s7 =	spop (v2sf);
	(v2sf) =	vpush v5, $0xE  }
0x9b: {  	[smem:s1+$0xF] =	sst s7;
	s8 =	spop (v2sf);
	(v2sf) =	vpush v5, $0xF  }
0x9c: {  	[smem:s12] =	sst s8;
	s10 =	spop (v2sf)  }
0x9d: {  	[smem:s12+$0x1] =	sst s10;
	s13 =	spop (v2sf)  }
0x9e: {  	[smem:s12+$0x2] =	sst s13;
	s22 =	spop (v2sf)  }
0x9f: {  	[smem:s12+$0x3] =	sst s22;
	s23 =	spop (v2sf)  }
0xa0: {  	[smem:s12+$0x4] =	sst s23;
	s24 =	spop (v2sf)  }
0xa1: {  	[smem:s12+$0x5] =	sst s24;
	s25 =	spop (v2sf)  }
0xa2: {  	[smem:s12+$0x6] =	sst s25;
	s26 =	spop (v2sf)  }
0xa3: {  	[smem:s12+$0x7] =	sst s26;
	s28 =	spop (v2sf)  }
0xa4: {  	[smem:s12+$0x8] =	sst s28;
	s29 =	spop (v2sf)  }
0xa5: {  	[smem:s12+$0x9] =	sst s29;
	s2 =	spop (v2sf)  }
0xa6: {  	[smem:s12+$0xA] =	sst s2;
	s3 =	spop (v2sf)  }
0xa7: {  	[smem:s12+$0xB] =	sst s3;
	s6 =	spop (v2sf)  }
0xa8: {  	[smem:s12+$0xC] =	sst s6;
	s7 =	spop (v2sf)  }
0xa9: {  	[smem:s12+$0xD] =	sst s7;
	s8 =	spop (v2sf)  }
0xaa: {  	[smem:s12+$0xE] =	sst s8;
	s10 =	spop (v2sf)  }
0xab: {  	[smem:s12+$0xF] =	sst s10  }
0xac: {  	s1 =	sld [smem:$0x0]  }
0xad: {  	s2 =	sld [smem:$0x1FF];
	_ =	sdelay $0x2  }
0xae: {  	s1 =	sshra.s32 s1, $0x7;
	s2 =	sshra.s32 s2, $0x7  }
0xaf: {  	s3 =	ssub.s32 s2, s1;
	p0 =	sne.s32 s2, s1;
	s2 =	simm.s32 $0x1  }
0xb0: {  	s12 =	sshra.s32 s3, $0x1F;
	s2 =	simm.s32 @!p0 $0x0  }
0xb1: {  	s13 =	sand.u32 $0x1, s3;
	s2 =	sor.u32 s2, s12  }
0xb2: {  	p1 =	seq.s32 s13, $0x1;
	p4 =	sne.s32 s2, $0x1  }
0xb3: {  	s22 =	sshrl.u32 s3, $0x1F;
	p0 =	por !p4, !p1  }
0xb4: {  	s2 =	sadd.s32 s22, s3;
	s3 =	simm.s32 $0x1;
	p0 =	por !p0, !p0  }
0xb5: {  	s2 =	sshra.s32 s2, $0x1;
	s3 =	simm.s32 @!p0 $0x0  }
0xb6: {  	s6 =	smov.u32 s1;
	p0 =	slt.s32 s1, $0x1E83;
	s2 =	ssub.s32 s2, s3  }
0xb7: {  	s6 =	simm.s32 @!p0 $0x1E83;
	s3 =	sadd.s32 $0x3, s2  }
0xb8: {  	s6 =	sshll.u32 s6, $0x7;
	s7 =	smulhi.u32 $0x55555556, s3  }
0xb9: {  	s3 =	sshra.s32 s3, $0x1F;
	s6 =	sand.u32 $0x1FFFFF80, s6  }
0xba: {  	s3 =	smul.u32 $0x55555556, s3;
	s6 =	sadd.s32 s0, s6  }
0xbb: {  	[tilespmem:s17], [sflag:$0x1] =	stream.strided.gather [hbm4b:s6+s16], $0x4000, s15, s16, $0x38;
	[tilespmem:$0x1D380] =	vst v63  }
0xbc: {  	s3 =	sadd.s32 s3, s7  }
0xbd: {  	p0 =	slt.s32 s1, $0x1E81;
	s7 =	smov.u32 s1;
	s23 =	sshrl.u32 s3, $0x1F  }
0xbe: {  	s7 =	simm.s32 @!p0 $0x1E81;
	s3 =	sadd.s32 s23, s3  }
0xbf: {  	p1 =	slt.s32 s1, $0x1E7F;
	s7 =	sshll.u32 s7, $0xA;
	s6 =	smul.u32 $0xFFFFFFFD, s3  }
0xc0: {  	s8 =	ssub.s32 $0xFFFFFFFD, s2;
	p6 =	slt.s32 s2, $0xFFFFFFFE;
	s7 =	sadd.s32 $0x800, s7  }
0xc1: {  	s24 =	sshrl.u32 s7, $0x3;
	s7 =	smov.u32 s1;
	p5 =	sne.s32 s6, s8  }
0xc2: {  	s7 =	simm.s32 @!p1 $0x1E7F;
	p0 =	por !p6, !p5  }
0xc3: {  	s6 =	simm.s32 $0x1;
	s26 =	sshll.u32 s7, $0xA;
	p0 =	por !p0, !p0  }
0xc4: {  	s2 =	sadd.s32 $0x1000, s26;
	s6 =	simm.s32 @!p0 $0x0  }
0xc5: {  	s28 =	sshrl.u32 s2, $0x3;
	s2 =	ssub.s32 s3, s6  }
0xc6: {  	p0 =	slt.s32 s2, $0x1  }
.Ltmp3:
0xc7: {  	_ = 	snop;
	(pc) =	sbr.rel @p0 .LBB2_27-.Ltmp3, $4  }
0xc8: {  	s25 =	sadd.s32 s0, s24  }
0xc9: {  	[tilespmem:s18], [sflag:$0x2] =	stream.strided.gather [hbm4b:s25+s16], $0x4000, s15, s16, $0x38;
	[tilespmem:$0x1D380] =	vst v63  }
0xca: {  	s29 =	sadd.s32 s0, s28  }
0xcb: {  	[tilespmem:s19], [sflag:$0x3] =	stream.strided.gather [hbm4b:s29+s16], $0x4000, s15, s16, $0x38;
	[tilespmem:$0x1D380] =	vst v63  }
.Ltmp4:
0xcc: {  	(pc) =	sbr.rel .LBB2_5-.Ltmp4, $3  }
0xcd: {  	_ =	sdelay $0x1  }
0xce: {  	s12 =	sadd.s32 $0x6, s1;
	s13 =	sadd.s32 $0x2, s1;
	s22 =	sadd.s32 $0x8, s1  }
0xcf: {  	s23 =	sadd.s32 $0x4, s1;
	s24 =	sadd.s32 $0xA, s1;
	s25 =	simm.s32 $0x0  }
.LBB2_21:
0xd0: {  	s10 =	smov.u32 s28  }
.LBB2_25:
0xd1: {  	v4 =	vadd.s32 @p0 v3, v4  }
0xd2: {  	s3 =	ssub.s32 s8, s3  }
0xd3: {  	v6 =	vmov s3  }
0xd4: {  	v7 =	vshll.u32 v6, $0x3  }
0xd5: {  	[tilespmem:s10+$0x0] =	vst @p0 v5;
	v5 =	vand.u32 $0x7F, v6;
	v61 =	vand.u32 $0xFFFFFC00, v7  }
0xd6: {  	v5 =	vor.u32 v5, v61;
	v4 =	vld.idx.msk @p0 [tilespmem:v4+s19+$0x0], $0xffff  }
0xd7: {  	v6 =	vadd.s32 v0, v5;
	_ =	sdelay $0x3  }
0xd8: {  	[tilespmem:s10+$0x10] =	vst @p0 v4  }
0xd9: {  	v4 =	vld.idx.msk [tilespmem:v6+s19+$0x0], $0xffff  }
0xda: {  	v62 =	vadd.s32 v1, v5;
	_ =	sdelay $0x1  }
0xdb: {  	s3 =	sadd.s32 @p0 $0x80, s10  }
0xdc: {  	s28 =	smov.u32 @p0 s3  }
0xdd: {  	[tilespmem:s28+$0xFFFFFFE0] =	vst v4  }
0xde: {  	v4 =	vld.idx.msk [tilespmem:v62+s19+$0x0], $0xffff  }
0xdf: {  	v63 =	vadd.s32 v2, v5;
	_ =	sdelay $0x3  }
0xe0: {  	[tilespmem:s28+$0xFFFFFFF0] =	vst v4  }
0xe1: {  	v4 =	vld.idx.msk [tilespmem:v63+s19+$0x0], $0xffff  }
0xe2: {  	v5 =	vadd.s32 v3, v5;
	_ =	sdelay $0x3  }
0xe3: {  	[tilespmem:s28+$0x0] =	vst v4  }
0xe4: {  	v4 =	vld.idx.msk [tilespmem:v5+s19+$0x0], $0xffff;
	_ =	sdelay $0x4  }
0xe5: {  	[tilespmem:s28+$0x10] =	vst v4  }
.LBB2_26:
0xe6: {  	s3 =	sadd.s32 s26, s24  }
0xe7: {  	s25 =	sadd.s32 $0x1, s25;
	p0 =	slt.s32 s3, $0x1E83  }
0xe8: {  	s3 =	simm.s32 @!p0 $0x1E83;
	p0 =	sne.s32 s25, s2  }
.Ltmp5:
0xe9: {  	_ = 	snop;
	(pc) =	sbr.rel @!p0 .LBB2_27-.Ltmp5, $4  }
0xea: {  	s3 =	sshll.u32 s3, $0x7  }
0xeb: {  	s3 =	sand.u32 $0x1FFFFF80, s3  }
0xec: {  	s3 =	sadd.s32 s0, s3  }
0xed: {  	[tilespmem:s19], [sflag:$0x3] =	stream.strided.gather [hbm4b:s3+s16], $0x4000, s15, s16, $0x38;
	[tilespmem:$0x1D380] =	vst v63  }
.LBB2_5:
0xee: {  	s3 =	smul.u32 $0xC, s25;
	_ =	sdelay $0x1  }
0xef: {  	s3 =	sshra.s32 s3, $0x2  }
0xf0: {  	v4 =	vld [tilespmem:s3+$0x200];
	_ =	sdelay $0x3  }
0xf1: {  	_ =	swait.ge [sflag:s14], $0x4000  }
0xf2: {  	(v2sf) =	vpush v4, $0x0  }
0xf3: {  	(v2sf) =	vpush v4, $0x1;
	_ =	sdelay $0xd  }
0xf4: {  	s6 =	spop (v2sf)  }
0xf5: {  	s28 =	spop (v2sf)  }
0xf6: {  	p0 =	sle.s32 s28, s6  }
.Ltmp6:
0xf7: {  	_ = 	snop;
	(pc) =	sbr.rel @p0 .LBB2_12-.Ltmp6, $3  }
0xf8: {  	_ =	sdelay $0x1  }
0xf9: {  	[sflag:s14] =	ssyncset.done $0x0  }
0xfa: {  	s26 =	smul.u32 $0x6, s25;
	[sflag:s14] =	ssyncadd.s32 $0xFFFFC000  }
0xfb: {  	s29 =	ssub.s32 s28, s6  }
0xfc: {  	p1 =	sne.s32 s29, $0x1  }
.Ltmp7:
0xfd: {  	_ = 	snop;
	(pc) =	sbr.rel @!p1 .LBB2_7-.Ltmp7, $4  }
0xfe: {  	s7 =	sshll.u32 s6, $0x9;
	s10 =	sshll.u32 s6, $0x2;
	s3 =	sadd.s32 s1, s26  }
0xff: {  	s7 =	sshra.s32 s7, $0x2;
	s6 =	sshra.s32 s10, $0x2;
	p0 =	slt.s32 s3, $0x1E83  }
0x100: {  	s10 =	sadd.s32 $0x13A0, s7;
	s8 =	sld [smem:s6+$0x0];
	s3 =	simm.s32 @!p0 $0x1E83  }
0x101: {  	s7 =	sadd.s32 $0xFFFFFFFF, s29;
	p0 =	por $0x0, $0x0;
	s3 =	sshll.u32 s3, $0x7  }
0x102: {  	_ = 	snop  }
0x103: {  	s8 =	ssub.s32 s8, s3  }
0x104: {  	v5 =	vmov s8  }
0x105: {  	v6 =	vshll.u32 v5, $0x3  }
0x106: {  	v5 =	vand.u32 $0x7F, v5;
	v6 =	vand.u32 $0xFFFFFC00, v6  }
0x107: {  	v5 =	vor.u32 v5, v6  }
0x108: {  	v6 =	vadd.s32 v0, v5;
	_ =	sdelay $0x4  }
0x109: {  	v6 =	vld.idx.msk [tilespmem:v6+s17+$0x0], $0xffff  }
0x10a: {  	v7 =	vadd.s32 v1, v5;
	_ =	sdelay $0x3  }
0x10b: {  	[tilespmem:s10+$0xFFFFFFE0] =	vst v6  }
0x10c: {  	v6 =	vld.idx.msk [tilespmem:v7+s17+$0x0], $0xffff  }
0x10d: {  	p1 =	sne.s32 s7, $0x1;
	v7 =	vadd.s32 v2, v5  }
.Ltmp8:
0x10e: {  	_ = 	snop;
	(pc) =	sbr.rel @!p1 .LBB2_9-.Ltmp8, $3  }
0x10f: {  	_ =	sdelay $0x1  }
0x110: {  	s6 =	sadd.s32 $0x1, s6;
	s7 =	sadd.s32 $0xFFFFFFFF, s7;
	[tilespmem:s10+$0xFFFFFFF0] =	vst v6  }
0x111: {  	p0 =	por $0x1, $0x1;
	s29 =	smov.u32 s10;
	s8 =	sld [smem:s6+$0x0];
	v6 =	vld.idx.msk [tilespmem:v7+s17+$0x0], $0xffff  }
.LBB2_10:
0x112: {  	p1 =	sne.s32 s7, $0x1;
	v5 =	vadd.s32 v3, v5;
	_ =	sdelay $0x1  }
0x113: {  	s8 =	ssub.s32 s8, s3  }
0x114: {  	v7 =	vmov s8  }
0x115: {  	v8 =	vshll.u32 v7, $0x3;
	[tilespmem:s29+$0x0] =	vst v6  }
0x116: {  	v6 =	vand.u32 $0x7F, v7;
	v7 =	vand.u32 $0xFFFFFC00, v8;
	v8 =	vld.idx.msk [tilespmem:v5+s17+$0x0], $0xffff  }
0x117: {  	v5 =	vor.u32 v6, v7  }
0x118: {  	v6 =	vadd.s32 v0, v5;
	_ =	sdelay $0x3  }
0x119: {  	[tilespmem:s29+$0x10] =	vst v8  }
0x11a: {  	v6 =	vld.idx.msk [tilespmem:v6+s17+$0x0], $0xffff;
	_ =	sdelay $0x1  }
0x11b: {  	v7 =	vadd.s32 v1, v5;
	_ =	sdelay $0x2  }
0x11c: {  	s29 =	sadd.s32 $0x80, s29  }
0x11d: {  	[tilespmem:s29+$0xFFFFFFE0] =	vst v6  }
0x11e: {  	v6 =	vld.idx.msk [tilespmem:v7+s17+$0x0], $0xffff;
	_ =	sdelay $0x1  }
0x11f: {  	v7 =	vadd.s32 v2, v5;
	_ =	sdelay $0x1  }
.Ltmp9:
0x120: {  	(pc) =	sbr.rel @p1 .LBB2_10-.Ltmp9, $4  }
0x121: {  	_ = 	snop  }
0x122: {  	[tilespmem:s29+$0xFFFFFFF0] =	vst v6  }
0x123: {  	s6 =	sadd.s32 $0x1, s6;
	v6 =	vld.idx.msk [tilespmem:v7+s17+$0x0], $0xffff  }
0x124: {  	s7 =	sadd.s32 $0xFFFFFFFF, s7;
	s8 =	sld [smem:s6+$0x0]  }
.LBB2_11:
0x125: {  	_ = 	snop  }
0x126: {  	v5 =	vadd.s32 @p0 v3, v5  }
0x127: {  	s3 =	ssub.s32 s8, s3  }
0x128: {  	v7 =	vmov s3  }
0x129: {  	v8 =	vshll.u32 v7, $0x3  }
0x12a: {  	[tilespmem:s29+$0x0] =	vst @p0 v6;
	v6 =	vand.u32 $0x7F, v7;
	v7 =	vand.u32 $0xFFFFFC00, v8  }
0x12b: {  	v5 =	vld.idx.msk @p0 [tilespmem:v5+s17+$0x0], $0xffff;
	v6 =	vor.u32 v6, v7  }
0x12c: {  	v7 =	vadd.s32 v0, v6;
	_ =	sdelay $0x3  }
0x12d: {  	[tilespmem:s29+$0x10] =	vst @p0 v5  }
0x12e: {  	v5 =	vld.idx.msk [tilespmem:v7+s17+$0x0], $0xffff  }
0x12f: {  	v7 =	vadd.s32 v1, v6;
	_ =	sdelay $0x1  }
0x130: {  	s3 =	sadd.s32 @p0 $0x80, s29  }
0x131: {  	s10 =	smov.u32 @p0 s3  }
0x132: {  	[tilespmem:s10+$0xFFFFFFE0] =	vst v5  }
0x133: {  	v5 =	vld.idx.msk [tilespmem:v7+s17+$0x0], $0xffff  }
0x134: {  	v7 =	vadd.s32 v2, v6;
	_ =	sdelay $0x3  }
0x135: {  	[tilespmem:s10+$0xFFFFFFF0] =	vst v5  }
0x136: {  	v5 =	vld.idx.msk [tilespmem:v7+s17+$0x0], $0xffff  }
0x137: {  	v6 =	vadd.s32 v3, v6;
	_ =	sdelay $0x3  }
0x138: {  	[tilespmem:s10+$0x0] =	vst v5  }
0x139: {  	v5 =	vld.idx.msk [tilespmem:v6+s17+$0x0], $0xffff;
	_ =	sdelay $0x4  }
0x13a: {  	[tilespmem:s10+$0x10] =	vst v5  }
.LBB2_12:
0x13b: {  	_ = 	snop  }
0x13c: {  	s3 =	sadd.s32 s26, s12  }
0x13d: {  	p0 =	slt.s32 s3, $0x1E83  }
0x13e: {  	s3 =	simm.s32 @!p0 $0x1E83  }
0x13f: {  	s3 =	sshll.u32 s3, $0x7  }
0x140: {  	s3 =	sand.u32 $0x1FFFFF80, s3  }
0x141: {  	s3 =	sadd.s32 s0, s3  }
0x142: {  	[tilespmem:s17], [sflag:$0x1] =	stream.strided.gather [hbm4b:s3+s16], $0x4000, s15, s16, $0x38;
	[tilespmem:$0x1D380] =	vst v63  }
0x143: {  	_ =	swait.ge [sflag:s20], $0x4000  }
0x144: {  	(v2sf) =	vpush v4, $0x2;
	_ =	sdelay $0xe  }
0x145: {  	s29 =	spop (v2sf)  }
0x146: {  	p0 =	sle.s32 s29, s28  }
.Ltmp10:
0x147: {  	_ = 	snop;
	(pc) =	sbr.rel @p0 .LBB2_19-.Ltmp10, $3  }
0x148: {  	_ =	sdelay $0x1  }
0x149: {  	[sflag:s20] =	ssyncset.done $0x0  }
0x14a: {  	[sflag:s20] =	ssyncadd.s32 $0xFFFFC000  }
0x14b: {  	s7 =	ssub.s32 s29, s28  }
0x14c: {  	p1 =	sne.s32 s7, $0x1  }
.Ltmp11:
0x14d: {  	_ = 	snop;
	(pc) =	sbr.rel @!p1 .LBB2_14-.Ltmp11, $4  }
0x14e: {  	s3 =	sadd.s32 s26, s13;
	s6 =	sshll.u32 s28, $0x9;
	s8 =	sshll.u32 s28, $0x2  }
0x14f: {  	p0 =	slt.s32 s3, $0x1E83;
	s10 =	sshra.s32 s6, $0x2;
	s6 =	sshra.s32 s8, $0x2  }
0x150: {  	s7 =	sadd.s32 $0xFFFFFFFF, s7;
	s3 =	simm.s32 @!p0 $0x1E83;
	s28 =	sadd.s32 $0x13A0, s10  }
0x151: {  	s8 =	sld [smem:s6+$0x0];
	p0 =	por $0x0, $0x0;
	s3 =	sshll.u32 s3, $0x7  }
0x152: {  	_ =	sdelay $0x1  }
0x153: {  	s8 =	ssub.s32 s8, s3  }
0x154: {  	v5 =	vmov s8  }
0x155: {  	v6 =	vshll.u32 v5, $0x3  }
0x156: {  	v5 =	vand.u32 $0x7F, v5;
	v6 =	vand.u32 $0xFFFFFC00, v6  }
0x157: {  	v5 =	vor.u32 v5, v6  }
0x158: {  	v6 =	vadd.s32 v0, v5;
	_ =	sdelay $0x4  }
0x159: {  	v6 =	vld.idx.msk [tilespmem:v6+s18+$0x0], $0xffff  }
0x15a: {  	v7 =	vadd.s32 v1, v5;
	_ =	sdelay $0x3  }
0x15b: {  	[tilespmem:s28+$0xFFFFFFE0] =	vst v6  }
0x15c: {  	v6 =	vld.idx.msk [tilespmem:v7+s18+$0x0], $0xffff  }
0x15d: {  	p1 =	sne.s32 s7, $0x1;
	v7 =	vadd.s32 v2, v5  }
.Ltmp12:
0x15e: {  	_ = 	snop;
	(pc) =	sbr.rel @!p1 .LBB2_16-.Ltmp12, $3  }
0x15f: {  	_ =	sdelay $0x1  }
0x160: {  	s6 =	sadd.s32 $0x1, s6;
	s7 =	sadd.s32 $0xFFFFFFFF, s7;
	[tilespmem:s28+$0xFFFFFFF0] =	vst v6  }
0x161: {  	p0 =	por $0x1, $0x1;
	s10 =	smov.u32 s28;
	s8 =	sld [smem:s6+$0x0];
	v6 =	vld.idx.msk [tilespmem:v7+s18+$0x0], $0xffff  }
.LBB2_17:
0x162: {  	p1 =	sne.s32 s7, $0x1;
	v5 =	vadd.s32 v3, v5;
	_ =	sdelay $0x1  }
0x163: {  	s8 =	ssub.s32 s8, s3  }
0x164: {  	v7 =	vmov s8  }
0x165: {  	v8 =	vshll.u32 v7, $0x3;
	[tilespmem:s10+$0x0] =	vst v6  }
0x166: {  	v6 =	vand.u32 $0x7F, v7;
	v7 =	vand.u32 $0xFFFFFC00, v8;
	v8 =	vld.idx.msk [tilespmem:v5+s18+$0x0], $0xffff  }
0x167: {  	v5 =	vor.u32 v6, v7  }
0x168: {  	v6 =	vadd.s32 v0, v5;
	_ =	sdelay $0x3  }
0x169: {  	[tilespmem:s10+$0x10] =	vst v8  }
0x16a: {  	v6 =	vld.idx.msk [tilespmem:v6+s18+$0x0], $0xffff;
	_ =	sdelay $0x1  }
0x16b: {  	v7 =	vadd.s32 v1, v5;
	_ =	sdelay $0x2  }
0x16c: {  	s10 =	sadd.s32 $0x80, s10  }
0x16d: {  	[tilespmem:s10+$0xFFFFFFE0] =	vst v6  }
0x16e: {  	v6 =	vld.idx.msk [tilespmem:v7+s18+$0x0], $0xffff;
	_ =	sdelay $0x1  }
0x16f: {  	v7 =	vadd.s32 v2, v5;
	_ =	sdelay $0x1  }
.Ltmp13:
0x170: {  	(pc) =	sbr.rel @p1 .LBB2_17-.Ltmp13, $4  }
0x171: {  	_ = 	snop  }
0x172: {  	[tilespmem:s10+$0xFFFFFFF0] =	vst v6  }
0x173: {  	s6 =	sadd.s32 $0x1, s6;
	v6 =	vld.idx.msk [tilespmem:v7+s18+$0x0], $0xffff  }
0x174: {  	s7 =	sadd.s32 $0xFFFFFFFF, s7;
	s8 =	sld [smem:s6+$0x0]  }
.LBB2_18:
0x175: {  	_ = 	snop  }
0x176: {  	v5 =	vadd.s32 @p0 v3, v5  }
0x177: {  	s3 =	ssub.s32 s8, s3  }
0x178: {  	v7 =	vmov s3  }
0x179: {  	v8 =	vshll.u32 v7, $0x3  }
0x17a: {  	[tilespmem:s10+$0x0] =	vst @p0 v6;
	v6 =	vand.u32 $0x7F, v7;
	v7 =	vand.u32 $0xFFFFFC00, v8  }
0x17b: {  	v5 =	vld.idx.msk @p0 [tilespmem:v5+s18+$0x0], $0xffff;
	v6 =	vor.u32 v6, v7  }
0x17c: {  	v7 =	vadd.s32 v0, v6;
	_ =	sdelay $0x3  }
0x17d: {  	[tilespmem:s10+$0x10] =	vst @p0 v5  }
0x17e: {  	v5 =	vld.idx.msk [tilespmem:v7+s18+$0x0], $0xffff  }
0x17f: {  	v7 =	vadd.s32 v1, v6;
	_ =	sdelay $0x1  }
0x180: {  	s3 =	sadd.s32 @p0 $0x80, s10  }
0x181: {  	s28 =	smov.u32 @p0 s3  }
0x182: {  	[tilespmem:s28+$0xFFFFFFE0] =	vst v5  }
0x183: {  	v5 =	vld.idx.msk [tilespmem:v7+s18+$0x0], $0xffff  }
0x184: {  	v7 =	vadd.s32 v2, v6;
	_ =	sdelay $0x3  }
0x185: {  	[tilespmem:s28+$0xFFFFFFF0] =	vst v5  }
0x186: {  	v5 =	vld.idx.msk [tilespmem:v7+s18+$0x0], $0xffff  }
0x187: {  	v6 =	vadd.s32 v3, v6;
	_ =	sdelay $0x3  }
0x188: {  	[tilespmem:s28+$0x0] =	vst v5  }
0x189: {  	v5 =	vld.idx.msk [tilespmem:v6+s18+$0x0], $0xffff;
	_ =	sdelay $0x4  }
0x18a: {  	[tilespmem:s28+$0x10] =	vst v5  }
.LBB2_19:
0x18b: {  	s3 =	sadd.s32 s26, s22  }
0x18c: {  	p0 =	slt.s32 s3, $0x1E83  }
0x18d: {  	s3 =	simm.s32 @!p0 $0x1E83  }
0x18e: {  	s3 =	sshll.u32 s3, $0x7  }
0x18f: {  	s3 =	sand.u32 $0x1FFFFF80, s3  }
0x190: {  	s3 =	sadd.s32 s0, s3  }
0x191: {  	[tilespmem:s18], [sflag:$0x2] =	stream.strided.gather [hbm4b:s3+s16], $0x4000, s15, s16, $0x38;
	[tilespmem:$0x1D380] =	vst v63  }
0x192: {  	_ =	swait.ge [sflag:s21], $0x4000  }
0x193: {  	(v2sf) =	vpush v4, $0x3;
	_ =	sdelay $0xe  }
0x194: {  	s6 =	spop (v2sf)  }
0x195: {  	p0 =	sle.s32 s6, s29  }
.Ltmp14:
0x196: {  	_ = 	snop;
	(pc) =	sbr.rel @p0 .LBB2_26-.Ltmp14, $3  }
0x197: {  	_ =	sdelay $0x1  }
0x198: {  	[sflag:s21] =	ssyncset.done $0x0  }
0x199: {  	[sflag:s21] =	ssyncadd.s32 $0xFFFFC000  }
0x19a: {  	s10 =	ssub.s32 s6, s29  }
0x19b: {  	p1 =	sne.s32 s10, $0x1  }
.Ltmp15:
0x19c: {  	_ = 	snop;
	(pc) =	sbr.rel @!p1 .LBB2_21-.Ltmp15, $4  }
0x19d: {  	s3 =	sadd.s32 s26, s23;
	s7 =	sshll.u32 s29, $0x9;
	s29 =	sshll.u32 s29, $0x2  }
0x19e: {  	p0 =	slt.s32 s3, $0x1E83;
	s7 =	sshra.s32 s7, $0x2;
	s6 =	sshra.s32 s29, $0x2  }
0x19f: {  	s3 =	simm.s32 @!p0 $0x1E83;
	s28 =	sadd.s32 $0x13A0, s7;
	s8 =	sld [smem:s6+$0x0]  }
0x1a0: {  	s7 =	sadd.s32 $0xFFFFFFFF, s10;
	p0 =	por $0x0, $0x0;
	s3 =	sshll.u32 s3, $0x7  }
0x1a1: {  	_ = 	snop  }
0x1a2: {  	s8 =	ssub.s32 s8, s3  }
0x1a3: {  	v4 =	vmov s8  }
0x1a4: {  	v5 =	vshll.u32 v4, $0x3  }
0x1a5: {  	v4 =	vand.u32 $0x7F, v4;
	v5 =	vand.u32 $0xFFFFFC00, v5  }
0x1a6: {  	v4 =	vor.u32 v4, v5  }
0x1a7: {  	v5 =	vadd.s32 v0, v4;
	_ =	sdelay $0x4  }
0x1a8: {  	v5 =	vld.idx.msk [tilespmem:v5+s19+$0x0], $0xffff  }
0x1a9: {  	v6 =	vadd.s32 v1, v4;
	_ =	sdelay $0x3  }
0x1aa: {  	[tilespmem:s28+$0xFFFFFFE0] =	vst v5  }
0x1ab: {  	v5 =	vld.idx.msk [tilespmem:v6+s19+$0x0], $0xffff  }
0x1ac: {  	p1 =	sne.s32 s7, $0x1;
	v6 =	vadd.s32 v2, v4  }
.Ltmp16:
0x1ad: {  	_ = 	snop;
	(pc) =	sbr.rel @!p1 .LBB2_23-.Ltmp16, $4  }
0x1ae: {  	_ = 	snop  }
0x1af: {  	s6 =	sadd.s32 $0x1, s6  }
0x1b0: {  	s8 =	sld [smem:s6+$0x0];
	[tilespmem:s28+$0xFFFFFFF0] =	vst v5  }
0x1b1: {  	s7 =	sadd.s32 $0xFFFFFFFF, s7;
	p0 =	por $0x1, $0x1;
	s10 =	smov.u32 s28;
	v5 =	vld.idx.msk [tilespmem:v6+s19+$0x0], $0xffff  }
.LBB2_24:
0x1b2: {  	p1 =	sne.s32 s7, $0x1;
	v4 =	vadd.s32 v3, v4;
	_ =	sdelay $0x1  }
0x1b3: {  	s8 =	ssub.s32 s8, s3  }
0x1b4: {  	v6 =	vmov s8  }
0x1b5: {  	v7 =	vshll.u32 v6, $0x3;
	[tilespmem:s10+$0x0] =	vst v5  }
0x1b6: {  	v5 =	vand.u32 $0x7F, v6;
	v6 =	vand.u32 $0xFFFFFC00, v7;
	v7 =	vld.idx.msk [tilespmem:v4+s19+$0x0], $0xffff  }
0x1b7: {  	v4 =	vor.u32 v5, v6  }
0x1b8: {  	v5 =	vadd.s32 v0, v4;
	_ =	sdelay $0x3  }
0x1b9: {  	[tilespmem:s10+$0x10] =	vst v7  }
0x1ba: {  	v5 =	vld.idx.msk [tilespmem:v5+s19+$0x0], $0xffff;
	_ =	sdelay $0x1  }
0x1bb: {  	v6 =	vadd.s32 v1, v4;
	_ =	sdelay $0x2  }
0x1bc: {  	s10 =	sadd.s32 $0x80, s10  }
0x1bd: {  	[tilespmem:s10+$0xFFFFFFE0] =	vst v5  }
0x1be: {  	v5 =	vld.idx.msk [tilespmem:v6+s19+$0x0], $0xffff;
	_ =	sdelay $0x1  }
0x1bf: {  	v6 =	vadd.s32 v2, v4;
	_ =	sdelay $0x1  }
.Ltmp17:
0x1c0: {  	(pc) =	sbr.rel @p1 .LBB2_24-.Ltmp17, $4  }
0x1c1: {  	_ = 	snop  }
0x1c2: {  	[tilespmem:s10+$0xFFFFFFF0] =	vst v5  }
0x1c3: {  	s6 =	sadd.s32 $0x1, s6;
	v5 =	vld.idx.msk [tilespmem:v6+s19+$0x0], $0xffff  }
0x1c4: {  	s7 =	sadd.s32 $0xFFFFFFFF, s7;
	s8 =	sld [smem:s6+$0x0]  }
.Ltmp18:
0x1c5: {  	_ = 	snop;
	(pc) =	sbr.rel .LBB2_25-.Ltmp18, $1  }
0x1c6: {  	_ =	sdelay $0x3  }
.LBB2_7:
.Ltmp19:
0x1c7: {  	(pc) =	sbr.rel .LBB2_11-.Ltmp19, $2  }
0x1c8: {  	_ =	sdelay $0x2  }
0x1c9: {  	s29 =	smov.u32 s10  }
.LBB2_14:
.Ltmp20:
0x1ca: {  	(pc) =	sbr.rel .LBB2_18-.Ltmp20, $2  }
0x1cb: {  	_ =	sdelay $0x2  }
0x1cc: {  	s10 =	smov.u32 s28  }
.LBB2_9:
.Ltmp21:
0x1cd: {  	(pc) =	sbr.rel .LBB2_11-.Ltmp21, $2  }
0x1ce: {  	_ =	sdelay $0x2  }
0x1cf: {  	s29 =	smov.u32 s10  }
.LBB2_16:
.Ltmp22:
0x1d0: {  	(pc) =	sbr.rel .LBB2_18-.Ltmp22, $2  }
0x1d1: {  	_ =	sdelay $0x2  }
0x1d2: {  	s10 =	smov.u32 s28  }
.LBB2_23:
.Ltmp23:
0x1d3: {  	(pc) =	sbr.rel .LBB2_25-.Ltmp23, $2  }
0x1d4: {  	_ =	sdelay $0x2  }
0x1d5: {  	s10 =	smov.u32 s28  }
.LBB2_28:
0x1d6: {  	_ =	sfence.sel $0x180000  }
0x1d7: {  	[bflag:$0x0] =	sbarrier.arrive $0xFFFF  }
0x1d8: {  	_ =	strace $0x90000047  }
0x1d9: {  	s0 =	stileid.u32;
	[bflag:$0x2] =	sbarrier.arrive $0xFFFF  }
0x1da: {  	p0 =	sne.s32 s0, $0x0;
	s0 =	rddreg [dreg:$0x3]  }
0x1db: {  	s0 =	sadd.s32 @!p0 $0x100000, s0  }
0x1dc: {  	[sflag:s0] =	ssyncadd.tile.s32 @!p0 $0x1;
	_ =	shalt  }
.Lfunc_end2:
_tile_overlayer_lowered:
.L_overlay_start_2:
0x1dd: {  	(tag) =	ssettag $0x2  }
0x1de: {  	s0 =	rddreg [dreg:$0x0];
	s2 =	stileid.u32  }
0x1df: {  	s1 =	rddreg [dreg:$0x1];
	p0 =	sne.s32 s2, $0x0  }
0x1e0: {  	s3 =	rddreg [dreg:$0x2];
	[bflag:$0x3] =	sbarrier.arrive $0xFFFF;
	s2 =	simm.s32 @!p0 $0x1C06  }
0x1e1: {  	[timem:s3], [sflag:s2] =	dma.local @!p0 [hbm:s0], s1  }
0x1e2: {  	s0 =	simm.s32 @!p0 $0x6  }
0x1e3: {  	_ =	swait.ge @!p0 [sflag:s0], s1  }
0x1e4: {  	s1 =	ssub.s32 @!p0 $0x0, s1;
	[sflag:s0] =	ssyncset.done @!p0 $0x0  }
0x1e5: {  	[sflag:s0] =	ssyncadd.s32 @!p0 s1  }
0x1e6: {  	[bflag:$0x3] =	sbarrier.arrive $0xFFFF  }
0x1e7: {  	_ =	shalt  }

</sc_bundles>
